<compile_context>
chip_gen: v7x
topology: tpu7x:2x2x1
jax: 0.10.2.dev20260603
libtpu: 0.0.44.dev20260713+nightly
codegen_flags: <defaults>
</compile_context>

<pallas_src>
import jax
import jax.numpy as jnp
from jax import lax
from jax.experimental import pallas as pl
from jax.experimental.pallas import tpu as pltpu, tpu_sc as plsc

NUM_CORES = 2
NUM_SUBCORES = 16
LANES = 16
NW = NUM_CORES * NUM_SUBCORES
BATCH = 16384
EMBED = 16
B_PER_W = BATCH // NW
CHUNK = 128
N_CHUNKS = B_PER_W // CHUNK
BLOCKS = B_PER_W // LANES


def _body(uidx_hbm, midx_hbm, ue_hbm, ub_hbm, me_hbm, mb_hbm, out_hbm,
          uidx_v, midx_v, urows_v, mrows_v, ub_v, mb_v, out_v, sem):
    wid = lax.axis_index("s") * NUM_CORES + lax.axis_index("c")
    cbase = wid * N_CHUNKS

    pltpu.sync_copy(uidx_hbm.at[pl.ds(cbase, N_CHUNKS)], uidx_v)
    pltpu.sync_copy(midx_hbm.at[pl.ds(cbase, N_CHUNKS)], midx_v)

    copies = []
    for c in range(N_CHUNKS):
        r = pl.ds(c * CHUNK, CHUNK)
        copies.append(pltpu.async_copy(ue_hbm.at[uidx_v.at[c]], urows_v.at[r], sem))
        copies.append(pltpu.async_copy(me_hbm.at[midx_v.at[c]], mrows_v.at[r], sem))
        copies.append(pltpu.async_copy(ub_hbm.at[uidx_v.at[c]], ub_v.at[r], sem))
        copies.append(pltpu.async_copy(mb_hbm.at[midx_v.at[c]], mb_v.at[r], sem))
    for cp in copies:
        cp.wait()

    lane = lax.iota(jnp.int32, LANES)

    def blk_body(blk, _):
        rows = blk * LANES + lane
        acc = ub_v[pl.ds(blk * LANES, LANES)] + mb_v[pl.ds(blk * LANES, LANES)]
        for d in range(EMBED):
            dvec = jnp.full((LANES,), d, jnp.int32)
            u = plsc.load_gather(urows_v, [rows, dvec])
            m = plsc.load_gather(mrows_v, [rows, dvec])
            acc = acc + u * m
        out_v[pl.ds(blk * LANES, LANES)] = 1.0 / (1.0 + jnp.exp(-acc))
        return ()

    lax.fori_loop(0, BLOCKS, blk_body, (), unroll=False)

    pltpu.sync_copy(out_v, out_hbm.at[pl.ds(wid * B_PER_W, B_PER_W)])


def kernel(inputs, user_embedding, user_bias, movie_embedding, movie_bias):
    uidx = inputs[:, 0].reshape(BATCH // CHUNK, CHUNK)
    midx = inputs[:, 1].reshape(BATCH // CHUNK, CHUNK)
    mesh = plsc.VectorSubcoreMesh(core_axis_name="c", subcore_axis_name="s",
                                  num_cores=NUM_CORES, num_subcores=NUM_SUBCORES)
    out = pl.kernel(
        _body,
        out_type=jax.ShapeDtypeStruct((BATCH,), jnp.float32),
        mesh=mesh,
        compiler_params=pltpu.CompilerParams(
            use_tc_tiling_on_sc=False, needs_layout_passes=False),
        scratch_types=[
            pltpu.VMEM((N_CHUNKS, CHUNK), jnp.int32),
            pltpu.VMEM((N_CHUNKS, CHUNK), jnp.int32),
            pltpu.VMEM((B_PER_W, EMBED), jnp.float32),
            pltpu.VMEM((B_PER_W, EMBED), jnp.float32),
            pltpu.VMEM((B_PER_W,), jnp.float32),
            pltpu.VMEM((B_PER_W,), jnp.float32),
            pltpu.VMEM((B_PER_W,), jnp.float32),
            pltpu.SemaphoreType.DMA,
        ],
    )(uidx, midx, user_embedding, user_bias.reshape(-1),
      movie_embedding, movie_bias.reshape(-1))
    return out.reshape(BATCH, 1)

# --- scband reference (transcript-rebuilt; emitter-appended) ---
"""Pipeline reference for scband-movie-rec-model-85770496901404 (READ-ONLY COPY).

The authoritative reference and input builder live on the scoring server;
editing this copy changes nothing except your own understanding.
"""

import jax, jax.numpy as jnp
import numpy as np

NUM_USERS = 1000000
NUM_MOVIES = 1000000
EMBED = 16
BATCH = 16384

def setup_inputs(seed: int = 0) -> dict:
    key = jax.random.key(seed)
    k0, k1, k2, k3, k4 = jax.random.split(key, 5)
    inputs = jax.random.randint(k0, (BATCH, 2), 0, NUM_USERS, dtype=jnp.int32)
    user_embedding = jax.random.normal(k1, (NUM_USERS, EMBED), dtype=jnp.float32)
    user_bias = jax.random.normal(k2, (NUM_USERS, 1), dtype=jnp.float32)
    movie_embedding = jax.random.normal(k3, (NUM_MOVIES, EMBED), dtype=jnp.float32)
    movie_bias = jax.random.normal(k4, (NUM_MOVIES, 1), dtype=jnp.float32)
    return {
        "inputs": inputs,
        "user_embedding": user_embedding,
        "user_bias": user_bias,
        "movie_embedding": movie_embedding,
        "movie_bias": movie_bias,
    }

def reference(inputs, user_embedding, user_bias, movie_embedding, movie_bias):
    user_idx = inputs[:, 0]
    movie_idx = inputs[:, 1]
    user_vector = jnp.take(user_embedding, user_idx, axis=0)
    u_bias = jnp.take(user_bias, user_idx, axis=0)
    movie_vector = jnp.take(movie_embedding, movie_idx, axis=0)
    m_bias = jnp.take(movie_bias, movie_idx, axis=0)
    dot_user_movie = jnp.sum(user_vector * movie_vector, axis=1).reshape((inputs.shape[0], 1))
    x = dot_user_movie + u_bias + m_bias
    x = jax.nn.sigmoid(x)
    return x

if __name__ == "__main__":
    import jax
    _d = setup_inputs()
    print(jax.jit(kernel)(*tuple(_d.values())))

</pallas_src>

<mosaic_0001>
#map = affine_map<(d0, d1) -> (0, 0)>
#map1 = affine_map<(d0, d1) -> (0)>
module attributes {stable_mosaic.version = 14 : i64} {
  func.func @_body(%arg0: i32, %arg1: i32, %arg2: memref<128x128xi32, #tpu.memory_space<hbm>>, %arg3: memref<128x128xi32, #tpu.memory_space<hbm>>, %arg4: memref<1000000x16xf32, #tpu.memory_space<hbm>>, %arg5: memref<1000000xf32, #tpu.memory_space<hbm>>, %arg6: memref<1000000x16xf32, #tpu.memory_space<hbm>>, %arg7: memref<1000000xf32, #tpu.memory_space<hbm>>, %arg8: memref<16384xf32, #tpu.memory_space<hbm>>, %arg9: memref<4x128xi32, #tpu.memory_space<vmem>>, %arg10: memref<4x128xi32, #tpu.memory_space<vmem>>, %arg11: memref<512x16xf32, #tpu.memory_space<vmem>>, %arg12: memref<512x16xf32, #tpu.memory_space<vmem>>, %arg13: memref<512xf32, #tpu.memory_space<vmem>>, %arg14: memref<512xf32, #tpu.memory_space<vmem>>, %arg15: memref<512xf32, #tpu.memory_space<vmem>>, %arg16: memref<!tpu.dma_semaphore, #tpu.memory_space<semaphore_mem>>) attributes {dimension_semantics = [#tpu.dimension_semantics<core_parallel>, #tpu.dimension_semantics<subcore_parallel>], iteration_bounds = array<i64: 2, 16>, scalar_prefetch = 0 : i64, scratch_operands = 8 : i64, tpu.core_type = #tpu.core_type<sc_vector_subcore>, window_params = [{transform_indices = #map}, {transform_indices = #map}, {transform_indices = #map}, {transform_indices = #map1}, {transform_indices = #map}, {transform_indices = #map1}, {transform_indices = #map1}]} {
    %mul3A = arith.constant 2 : i32
    %mul3A_0 = arith.muli %arg1, %mul3A : i32
    %add3A = arith.addi %mul3A_0, %arg0 : i32
    %mul3A_1 = arith.constant 4 : i32
    %mul3A_2 = arith.muli %add3A, %mul3A_1 : i32
    "tpu.region"() ({
      %run_scoped3A = tpu.sem_alloc : memref<!tpu.dma_semaphore, #tpu.memory_space<semaphore_mem>>
      %dma_start3A_295 = arith.constant 0 : i32
      %dma_start3A_296 = tpu.memref_slice %arg2[%mul3A_2, %dma_start3A_295] : memref<128x128xi32, #tpu.memory_space<hbm>> -> memref<4x128xi32, #tpu.memory_space<hbm>>
      %dma_start3A_297 = arith.constant 0 : i32
      %dma_start3A_298 = tpu.memref_slice %arg2[%mul3A_2, %dma_start3A_297] : memref<128x128xi32, #tpu.memory_space<hbm>> -> memref<4x128xi32, #tpu.memory_space<hbm>>
      tpu.enqueue_dma source(%dma_start3A_298 : memref<4x128xi32, #tpu.memory_space<hbm>>) target(%arg9 : memref<4x128xi32, #tpu.memory_space<vmem>>) target_semaphore(%run_scoped3A : memref<!tpu.dma_semaphore, #tpu.memory_space<semaphore_mem>>)
      %dma_wait3A_299 = arith.constant 0 : i32
      %dma_wait3A_300 = tpu.memref_slice %arg2[%mul3A_2, %dma_wait3A_299] : memref<128x128xi32, #tpu.memory_space<hbm>> -> memref<4x128xi32, #tpu.memory_space<hbm>>
      %dma_wait3A_301 = arith.constant 0 : i32
      %dma_wait3A_302 = tpu.memref_slice %arg2[%mul3A_2, %dma_wait3A_301] : memref<128x128xi32, #tpu.memory_space<hbm>> -> memref<4x128xi32, #tpu.memory_space<hbm>>
      tpu.wait_dma2 semaphore(%run_scoped3A : memref<!tpu.dma_semaphore, #tpu.memory_space<semaphore_mem>>) src(%dma_wait3A_302 : memref<4x128xi32, #tpu.memory_space<hbm>>) dst(%arg9 : memref<4x128xi32, #tpu.memory_space<vmem>>)
      tpu.yield
    }) : () -> ()
    "tpu.region"() ({
      %run_scoped3A = tpu.sem_alloc : memref<!tpu.dma_semaphore, #tpu.memory_space<semaphore_mem>>
      %dma_start3A_295 = arith.constant 0 : i32
      %dma_start3A_296 = tpu.memref_slice %arg3[%mul3A_2, %dma_start3A_295] : memref<128x128xi32, #tpu.memory_space<hbm>> -> memref<4x128xi32, #tpu.memory_space<hbm>>
      %dma_start3A_297 = arith.constant 0 : i32
      %dma_start3A_298 = tpu.memref_slice %arg3[%mul3A_2, %dma_start3A_297] : memref<128x128xi32, #tpu.memory_space<hbm>> -> memref<4x128xi32, #tpu.memory_space<hbm>>
      tpu.enqueue_dma source(%dma_start3A_298 : memref<4x128xi32, #tpu.memory_space<hbm>>) target(%arg10 : memref<4x128xi32, #tpu.memory_space<vmem>>) target_semaphore(%run_scoped3A : memref<!tpu.dma_semaphore, #tpu.memory_space<semaphore_mem>>)
      %dma_wait3A_299 = arith.constant 0 : i32
      %dma_wait3A_300 = tpu.memref_slice %arg3[%mul3A_2, %dma_wait3A_299] : memref<128x128xi32, #tpu.memory_space<hbm>> -> memref<4x128xi32, #tpu.memory_space<hbm>>
      %dma_wait3A_301 = arith.constant 0 : i32
      %dma_wait3A_302 = tpu.memref_slice %arg3[%mul3A_2, %dma_wait3A_301] : memref<128x128xi32, #tpu.memory_space<hbm>> -> memref<4x128xi32, #tpu.memory_space<hbm>>
      tpu.wait_dma2 semaphore(%run_scoped3A : memref<!tpu.dma_semaphore, #tpu.memory_space<semaphore_mem>>) src(%dma_wait3A_302 : memref<4x128xi32, #tpu.memory_space<hbm>>) dst(%arg10 : memref<4x128xi32, #tpu.memory_space<vmem>>)
      tpu.yield
    }) : () -> ()
    %dma_start3A = arith.constant 0 : i32
    %dma_start3A_3 = arith.constant 0 : i32
    %dma_start3A_4 = arith.constant 0 : i32
    %dma_start3A_5 = tpu.memref_slice %arg11[%dma_start3A_3, %dma_start3A_4] : memref<512x16xf32, #tpu.memory_space<vmem>> -> memref<128x16xf32, #tpu.memory_space<vmem>>
    %dma_start3A_6 = arith.constant 0 : i32
    %dma_start3A_7 = tpu.memref_slice %arg9[%dma_start3A, %dma_start3A_6] : memref<4x128xi32, #tpu.memory_space<vmem>> -> memref<1x128xi32, #tpu.memory_space<vmem>>
    %dma_start3A_8 = tpu.memref_squeeze %dma_start3A_7 : memref<1x128xi32, #tpu.memory_space<vmem>> -> memref<128xi32, #tpu.memory_space<vmem>>
    %dma_start3A_9 = arith.constant 0 : i32
    %dma_start3A_10 = arith.constant 0 : i32
    %dma_start3A_11 = tpu.memref_slice %arg4[%dma_start3A_9, %dma_start3A_10] : memref<1000000x16xf32, #tpu.memory_space<hbm>> -> memref<1000000x16xf32, #tpu.memory_space<hbm>>
    tpu.enqueue_indirect_dma source(%dma_start3A_11 : memref<1000000x16xf32, #tpu.memory_space<hbm>>) target(%dma_start3A_5 : memref<128x16xf32, #tpu.memory_space<vmem>>) offsets(%dma_start3A_8 : memref<128xi32, #tpu.memory_space<vmem>>) semaphore(%arg16 : memref<!tpu.dma_semaphore, #tpu.memory_space<semaphore_mem>>)
    %dma_start3A_12 = arith.constant 0 : i32
    %dma_start3A_13 = arith.constant 0 : i32
    %dma_start3A_14 = arith.constant 0 : i32
    %dma_start3A_15 = tpu.memref_slice %arg12[%dma_start3A_13, %dma_start3A_14] : memref<512x16xf32, #tpu.memory_space<vmem>> -> memref<128x16xf32, #tpu.memory_space<vmem>>
    %dma_start3A_16 = arith.constant 0 : i32
    %dma_start3A_17 = tpu.memref_slice %arg10[%dma_start3A_12, %dma_start3A_16] : memref<4x128xi32, #tpu.memory_space<vmem>> -> memref<1x128xi32, #tpu.memory_space<vmem>>
    %dma_start3A_18 = tpu.memref_squeeze %dma_start3A_17 : memref<1x128xi32, #tpu.memory_space<vmem>> -> memref<128xi32, #tpu.memory_space<vmem>>
    %dma_start3A_19 = arith.constant 0 : i32
    %dma_start3A_20 = arith.constant 0 : i32
    %dma_start3A_21 = tpu.memref_slice %arg6[%dma_start3A_19, %dma_start3A_20] : memref<1000000x16xf32, #tpu.memory_space<hbm>> -> memref<1000000x16xf32, #tpu.memory_space<hbm>>
    tpu.enqueue_indirect_dma source(%dma_start3A_21 : memref<1000000x16xf32, #tpu.memory_space<hbm>>) target(%dma_start3A_15 : memref<128x16xf32, #tpu.memory_space<vmem>>) offsets(%dma_start3A_18 : memref<128xi32, #tpu.memory_space<vmem>>) semaphore(%arg16 : memref<!tpu.dma_semaphore, #tpu.memory_space<semaphore_mem>>)
    %dma_start3A_22 = arith.constant 0 : i32
    %dma_start3A_23 = arith.constant 0 : i32
    %dma_start3A_24 = tpu.memref_slice %arg13[%dma_start3A_23] : memref<512xf32, #tpu.memory_space<vmem>> -> memref<128xf32, #tpu.memory_space<vmem>>
    %dma_start3A_25 = arith.constant 0 : i32
    %dma_start3A_26 = tpu.memref_slice %arg9[%dma_start3A_22, %dma_start3A_25] : memref<4x128xi32, #tpu.memory_space<vmem>> -> memref<1x128xi32, #tpu.memory_space<vmem>>
    %dma_start3A_27 = tpu.memref_squeeze %dma_start3A_26 : memref<1x128xi32, #tpu.memory_space<vmem>> -> memref<128xi32, #tpu.memory_space<vmem>>
    %dma_start3A_28 = arith.constant 0 : i32
    %dma_start3A_29 = tpu.memref_slice %arg5[%dma_start3A_28] : memref<1000000xf32, #tpu.memory_space<hbm>> -> memref<1000000xf32, #tpu.memory_space<hbm>>
    tpu.enqueue_indirect_dma source(%dma_start3A_29 : memref<1000000xf32, #tpu.memory_space<hbm>>) target(%dma_start3A_24 : memref<128xf32, #tpu.memory_space<vmem>>) offsets(%dma_start3A_27 : memref<128xi32, #tpu.memory_space<vmem>>) semaphore(%arg16 : memref<!tpu.dma_semaphore, #tpu.memory_space<semaphore_mem>>)
    %dma_start3A_30 = arith.constant 0 : i32
    %dma_start3A_31 = arith.constant 0 : i32
    %dma_start3A_32 = tpu.memref_slice %arg14[%dma_start3A_31] : memref<512xf32, #tpu.memory_space<vmem>> -> memref<128xf32, #tpu.memory_space<vmem>>
    %dma_start3A_33 = arith.constant 0 : i32
    %dma_start3A_34 = tpu.memref_slice %arg10[%dma_start3A_30, %dma_start3A_33] : memref<4x128xi32, #tpu.memory_space<vmem>> -> memref<1x128xi32, #tpu.memory_space<vmem>>
    %dma_start3A_35 = tpu.memref_squeeze %dma_start3A_34 : memref<1x128xi32, #tpu.memory_space<vmem>> -> memref<128xi32, #tpu.memory_space<vmem>>
    %dma_start3A_36 = arith.constant 0 : i32
    %dma_start3A_37 = tpu.memref_slice %arg7[%dma_start3A_36] : memref<1000000xf32, #tpu.memory_space<hbm>> -> memref<1000000xf32, #tpu.memory_space<hbm>>
    tpu.enqueue_indirect_dma source(%dma_start3A_37 : memref<1000000xf32, #tpu.memory_space<hbm>>) target(%dma_start3A_32 : memref<128xf32, #tpu.memory_space<vmem>>) offsets(%dma_start3A_35 : memref<128xi32, #tpu.memory_space<vmem>>) semaphore(%arg16 : memref<!tpu.dma_semaphore, #tpu.memory_space<semaphore_mem>>)
    %dma_start3A_38 = arith.constant 1 : i32
    %dma_start3A_39 = arith.constant 128 : i32
    %dma_start3A_40 = arith.constant 0 : i32
    %dma_start3A_41 = tpu.memref_slice %arg11[%dma_start3A_39, %dma_start3A_40] : memref<512x16xf32, #tpu.memory_space<vmem>> -> memref<128x16xf32, #tpu.memory_space<vmem>>
    %dma_start3A_42 = arith.constant 0 : i32
    %dma_start3A_43 = tpu.memref_slice %arg9[%dma_start3A_38, %dma_start3A_42] : memref<4x128xi32, #tpu.memory_space<vmem>> -> memref<1x128xi32, #tpu.memory_space<vmem>>
    %dma_start3A_44 = tpu.memref_squeeze %dma_start3A_43 : memref<1x128xi32, #tpu.memory_space<vmem>> -> memref<128xi32, #tpu.memory_space<vmem>>
    %dma_start3A_45 = arith.constant 0 : i32
    %dma_start3A_46 = arith.constant 0 : i32
    %dma_start3A_47 = tpu.memref_slice %arg4[%dma_start3A_45, %dma_start3A_46] : memref<1000000x16xf32, #tpu.memory_space<hbm>> -> memref<1000000x16xf32, #tpu.memory_space<hbm>>
    tpu.enqueue_indirect_dma source(%dma_start3A_47 : memref<1000000x16xf32, #tpu.memory_space<hbm>>) target(%dma_start3A_41 : memref<128x16xf32, #tpu.memory_space<vmem>>) offsets(%dma_start3A_44 : memref<128xi32, #tpu.memory_space<vmem>>) semaphore(%arg16 : memref<!tpu.dma_semaphore, #tpu.memory_space<semaphore_mem>>)
    %dma_start3A_48 = arith.constant 1 : i32
    %dma_start3A_49 = arith.constant 128 : i32
    %dma_start3A_50 = arith.constant 0 : i32
    %dma_start3A_51 = tpu.memref_slice %arg12[%dma_start3A_49, %dma_start3A_50] : memref<512x16xf32, #tpu.memory_space<vmem>> -> memref<128x16xf32, #tpu.memory_space<vmem>>
    %dma_start3A_52 = arith.constant 0 : i32
    %dma_start3A_53 = tpu.memref_slice %arg10[%dma_start3A_48, %dma_start3A_52] : memref<4x128xi32, #tpu.memory_space<vmem>> -> memref<1x128xi32, #tpu.memory_space<vmem>>
    %dma_start3A_54 = tpu.memref_squeeze %dma_start3A_53 : memref<1x128xi32, #tpu.memory_space<vmem>> -> memref<128xi32, #tpu.memory_space<vmem>>
    %dma_start3A_55 = arith.constant 0 : i32
    %dma_start3A_56 = arith.constant 0 : i32
    %dma_start3A_57 = tpu.memref_slice %arg6[%dma_start3A_55, %dma_start3A_56] : memref<1000000x16xf32, #tpu.memory_space<hbm>> -> memref<1000000x16xf32, #tpu.memory_space<hbm>>
    tpu.enqueue_indirect_dma source(%dma_start3A_57 : memref<1000000x16xf32, #tpu.memory_space<hbm>>) target(%dma_start3A_51 : memref<128x16xf32, #tpu.memory_space<vmem>>) offsets(%dma_start3A_54 : memref<128xi32, #tpu.memory_space<vmem>>) semaphore(%arg16 : memref<!tpu.dma_semaphore, #tpu.memory_space<semaphore_mem>>)
    %dma_start3A_58 = arith.constant 1 : i32
    %dma_start3A_59 = arith.constant 128 : i32
    %dma_start3A_60 = tpu.memref_slice %arg13[%dma_start3A_59] : memref<512xf32, #tpu.memory_space<vmem>> -> memref<128xf32, #tpu.memory_space<vmem>>
    %dma_start3A_61 = arith.constant 0 : i32
    %dma_start3A_62 = tpu.memref_slice %arg9[%dma_start3A_58, %dma_start3A_61] : memref<4x128xi32, #tpu.memory_space<vmem>> -> memref<1x128xi32, #tpu.memory_space<vmem>>
    %dma_start3A_63 = tpu.memref_squeeze %dma_start3A_62 : memref<1x128xi32, #tpu.memory_space<vmem>> -> memref<128xi32, #tpu.memory_space<vmem>>
    %dma_start3A_64 = arith.constant 0 : i32
    %dma_start3A_65 = tpu.memref_slice %arg5[%dma_start3A_64] : memref<1000000xf32, #tpu.memory_space<hbm>> -> memref<1000000xf32, #tpu.memory_space<hbm>>
    tpu.enqueue_indirect_dma source(%dma_start3A_65 : memref<1000000xf32, #tpu.memory_space<hbm>>) target(%dma_start3A_60 : memref<128xf32, #tpu.memory_space<vmem>>) offsets(%dma_start3A_63 : memref<128xi32, #tpu.memory_space<vmem>>) semaphore(%arg16 : memref<!tpu.dma_semaphore, #tpu.memory_space<semaphore_mem>>)
    %dma_start3A_66 = arith.constant 1 : i32
    %dma_start3A_67 = arith.constant 128 : i32
    %dma_start3A_68 = tpu.memref_slice %arg14[%dma_start3A_67] : memref<512xf32, #tpu.memory_space<vmem>> -> memref<128xf32, #tpu.memory_space<vmem>>
    %dma_start3A_69 = arith.constant 0 : i32
    %dma_start3A_70 = tpu.memref_slice %arg10[%dma_start3A_66, %dma_start3A_69] : memref<4x128xi32, #tpu.memory_space<vmem>> -> memref<1x128xi32, #tpu.memory_space<vmem>>
    %dma_start3A_71 = tpu.memref_squeeze %dma_start3A_70 : memref<1x128xi32, #tpu.memory_space<vmem>> -> memref<128xi32, #tpu.memory_space<vmem>>
    %dma_start3A_72 = arith.constant 0 : i32
    %dma_start3A_73 = tpu.memref_slice %arg7[%dma_start3A_72] : memref<1000000xf32, #tpu.memory_space<hbm>> -> memref<1000000xf32, #tpu.memory_space<hbm>>
    tpu.enqueue_indirect_dma source(%dma_start3A_73 : memref<1000000xf32, #tpu.memory_space<hbm>>) target(%dma_start3A_68 : memref<128xf32, #tpu.memory_space<vmem>>) offsets(%dma_start3A_71 : memref<128xi32, #tpu.memory_space<vmem>>) semaphore(%arg16 : memref<!tpu.dma_semaphore, #tpu.memory_space<semaphore_mem>>)
    %dma_start3A_74 = arith.constant 2 : i32
    %dma_start3A_75 = arith.constant 256 : i32
    %dma_start3A_76 = arith.constant 0 : i32
    %dma_start3A_77 = tpu.memref_slice %arg11[%dma_start3A_75, %dma_start3A_76] : memref<512x16xf32, #tpu.memory_space<vmem>> -> memref<128x16xf32, #tpu.memory_space<vmem>>
    %dma_start3A_78 = arith.constant 0 : i32
    %dma_start3A_79 = tpu.memref_slice %arg9[%dma_start3A_74, %dma_start3A_78] : memref<4x128xi32, #tpu.memory_space<vmem>> -> memref<1x128xi32, #tpu.memory_space<vmem>>
    %dma_start3A_80 = tpu.memref_squeeze %dma_start3A_79 : memref<1x128xi32, #tpu.memory_space<vmem>> -> memref<128xi32, #tpu.memory_space<vmem>>
    %dma_start3A_81 = arith.constant 0 : i32
    %dma_start3A_82 = arith.constant 0 : i32
    %dma_start3A_83 = tpu.memref_slice %arg4[%dma_start3A_81, %dma_start3A_82] : memref<1000000x16xf32, #tpu.memory_space<hbm>> -> memref<1000000x16xf32, #tpu.memory_space<hbm>>
    tpu.enqueue_indirect_dma source(%dma_start3A_83 : memref<1000000x16xf32, #tpu.memory_space<hbm>>) target(%dma_start3A_77 : memref<128x16xf32, #tpu.memory_space<vmem>>) offsets(%dma_start3A_80 : memref<128xi32, #tpu.memory_space<vmem>>) semaphore(%arg16 : memref<!tpu.dma_semaphore, #tpu.memory_space<semaphore_mem>>)
    %dma_start3A_84 = arith.constant 2 : i32
    %dma_start3A_85 = arith.constant 256 : i32
    %dma_start3A_86 = arith.constant 0 : i32
    %dma_start3A_87 = tpu.memref_slice %arg12[%dma_start3A_85, %dma_start3A_86] : memref<512x16xf32, #tpu.memory_space<vmem>> -> memref<128x16xf32, #tpu.memory_space<vmem>>
    %dma_start3A_88 = arith.constant 0 : i32
    %dma_start3A_89 = tpu.memref_slice %arg10[%dma_start3A_84, %dma_start3A_88] : memref<4x128xi32, #tpu.memory_space<vmem>> -> memref<1x128xi32, #tpu.memory_space<vmem>>
    %dma_start3A_90 = tpu.memref_squeeze %dma_start3A_89 : memref<1x128xi32, #tpu.memory_space<vmem>> -> memref<128xi32, #tpu.memory_space<vmem>>
    %dma_start3A_91 = arith.constant 0 : i32
    %dma_start3A_92 = arith.constant 0 : i32
    %dma_start3A_93 = tpu.memref_slice %arg6[%dma_start3A_91, %dma_start3A_92] : memref<1000000x16xf32, #tpu.memory_space<hbm>> -> memref<1000000x16xf32, #tpu.memory_space<hbm>>
    tpu.enqueue_indirect_dma source(%dma_start3A_93 : memref<1000000x16xf32, #tpu.memory_space<hbm>>) target(%dma_start3A_87 : memref<128x16xf32, #tpu.memory_space<vmem>>) offsets(%dma_start3A_90 : memref<128xi32, #tpu.memory_space<vmem>>) semaphore(%arg16 : memref<!tpu.dma_semaphore, #tpu.memory_space<semaphore_mem>>)
    %dma_start3A_94 = arith.constant 2 : i32
    %dma_start3A_95 = arith.constant 256 : i32
    %dma_start3A_96 = tpu.memref_slice %arg13[%dma_start3A_95] : memref<512xf32, #tpu.memory_space<vmem>> -> memref<128xf32, #tpu.memory_space<vmem>>
    %dma_start3A_97 = arith.constant 0 : i32
    %dma_start3A_98 = tpu.memref_slice %arg9[%dma_start3A_94, %dma_start3A_97] : memref<4x128xi32, #tpu.memory_space<vmem>> -> memref<1x128xi32, #tpu.memory_space<vmem>>
    %dma_start3A_99 = tpu.memref_squeeze %dma_start3A_98 : memref<1x128xi32, #tpu.memory_space<vmem>> -> memref<128xi32, #tpu.memory_space<vmem>>
    %dma_start3A_100 = arith.constant 0 : i32
    %dma_start3A_101 = tpu.memref_slice %arg5[%dma_start3A_100] : memref<1000000xf32, #tpu.memory_space<hbm>> -> memref<1000000xf32, #tpu.memory_space<hbm>>
    tpu.enqueue_indirect_dma source(%dma_start3A_101 : memref<1000000xf32, #tpu.memory_space<hbm>>) target(%dma_start3A_96 : memref<128xf32, #tpu.memory_space<vmem>>) offsets(%dma_start3A_99 : memref<128xi32, #tpu.memory_space<vmem>>) semaphore(%arg16 : memref<!tpu.dma_semaphore, #tpu.memory_space<semaphore_mem>>)
    %dma_start3A_102 = arith.constant 2 : i32
    %dma_start3A_103 = arith.constant 256 : i32
    %dma_start3A_104 = tpu.memref_slice %arg14[%dma_start3A_103] : memref<512xf32, #tpu.memory_space<vmem>> -> memref<128xf32, #tpu.memory_space<vmem>>
    %dma_start3A_105 = arith.constant 0 : i32
    %dma_start3A_106 = tpu.memref_slice %arg10[%dma_start3A_102, %dma_start3A_105] : memref<4x128xi32, #tpu.memory_space<vmem>> -> memref<1x128xi32, #tpu.memory_space<vmem>>
    %dma_start3A_107 = tpu.memref_squeeze %dma_start3A_106 : memref<1x128xi32, #tpu.memory_space<vmem>> -> memref<128xi32, #tpu.memory_space<vmem>>
    %dma_start3A_108 = arith.constant 0 : i32
    %dma_start3A_109 = tpu.memref_slice %arg7[%dma_start3A_108] : memref<1000000xf32, #tpu.memory_space<hbm>> -> memref<1000000xf32, #tpu.memory_space<hbm>>
    tpu.enqueue_indirect_dma source(%dma_start3A_109 : memref<1000000xf32, #tpu.memory_space<hbm>>) target(%dma_start3A_104 : memref<128xf32, #tpu.memory_space<vmem>>) offsets(%dma_start3A_107 : memref<128xi32, #tpu.memory_space<vmem>>) semaphore(%arg16 : memref<!tpu.dma_semaphore, #tpu.memory_space<semaphore_mem>>)
    %dma_start3A_110 = arith.constant 3 : i32
    %dma_start3A_111 = arith.constant 384 : i32
    %dma_start3A_112 = arith.constant 0 : i32
    %dma_start3A_113 = tpu.memref_slice %arg11[%dma_start3A_111, %dma_start3A_112] : memref<512x16xf32, #tpu.memory_space<vmem>> -> memref<128x16xf32, #tpu.memory_space<vmem>>
    %dma_start3A_114 = arith.constant 0 : i32
    %dma_start3A_115 = tpu.memref_slice %arg9[%dma_start3A_110, %dma_start3A_114] : memref<4x128xi32, #tpu.memory_space<vmem>> -> memref<1x128xi32, #tpu.memory_space<vmem>>
    %dma_start3A_116 = tpu.memref_squeeze %dma_start3A_115 : memref<1x128xi32, #tpu.memory_space<vmem>> -> memref<128xi32, #tpu.memory_space<vmem>>
    %dma_start3A_117 = arith.constant 0 : i32
    %dma_start3A_118 = arith.constant 0 : i32
    %dma_start3A_119 = tpu.memref_slice %arg4[%dma_start3A_117, %dma_start3A_118] : memref<1000000x16xf32, #tpu.memory_space<hbm>> -> memref<1000000x16xf32, #tpu.memory_space<hbm>>
    tpu.enqueue_indirect_dma source(%dma_start3A_119 : memref<1000000x16xf32, #tpu.memory_space<hbm>>) target(%dma_start3A_113 : memref<128x16xf32, #tpu.memory_space<vmem>>) offsets(%dma_start3A_116 : memref<128xi32, #tpu.memory_space<vmem>>) semaphore(%arg16 : memref<!tpu.dma_semaphore, #tpu.memory_space<semaphore_mem>>)
    %dma_start3A_120 = arith.constant 3 : i32
    %dma_start3A_121 = arith.constant 384 : i32
    %dma_start3A_122 = arith.constant 0 : i32
    %dma_start3A_123 = tpu.memref_slice %arg12[%dma_start3A_121, %dma_start3A_122] : memref<512x16xf32, #tpu.memory_space<vmem>> -> memref<128x16xf32, #tpu.memory_space<vmem>>
    %dma_start3A_124 = arith.constant 0 : i32
    %dma_start3A_125 = tpu.memref_slice %arg10[%dma_start3A_120, %dma_start3A_124] : memref<4x128xi32, #tpu.memory_space<vmem>> -> memref<1x128xi32, #tpu.memory_space<vmem>>
    %dma_start3A_126 = tpu.memref_squeeze %dma_start3A_125 : memref<1x128xi32, #tpu.memory_space<vmem>> -> memref<128xi32, #tpu.memory_space<vmem>>
    %dma_start3A_127 = arith.constant 0 : i32
    %dma_start3A_128 = arith.constant 0 : i32
    %dma_start3A_129 = tpu.memref_slice %arg6[%dma_start3A_127, %dma_start3A_128] : memref<1000000x16xf32, #tpu.memory_space<hbm>> -> memref<1000000x16xf32, #tpu.memory_space<hbm>>
    tpu.enqueue_indirect_dma source(%dma_start3A_129 : memref<1000000x16xf32, #tpu.memory_space<hbm>>) target(%dma_start3A_123 : memref<128x16xf32, #tpu.memory_space<vmem>>) offsets(%dma_start3A_126 : memref<128xi32, #tpu.memory_space<vmem>>) semaphore(%arg16 : memref<!tpu.dma_semaphore, #tpu.memory_space<semaphore_mem>>)
    %dma_start3A_130 = arith.constant 3 : i32
    %dma_start3A_131 = arith.constant 384 : i32
    %dma_start3A_132 = tpu.memref_slice %arg13[%dma_start3A_131] : memref<512xf32, #tpu.memory_space<vmem>> -> memref<128xf32, #tpu.memory_space<vmem>>
    %dma_start3A_133 = arith.constant 0 : i32
    %dma_start3A_134 = tpu.memref_slice %arg9[%dma_start3A_130, %dma_start3A_133] : memref<4x128xi32, #tpu.memory_space<vmem>> -> memref<1x128xi32, #tpu.memory_space<vmem>>
    %dma_start3A_135 = tpu.memref_squeeze %dma_start3A_134 : memref<1x128xi32, #tpu.memory_space<vmem>> -> memref<128xi32, #tpu.memory_space<vmem>>
    %dma_start3A_136 = arith.constant 0 : i32
    %dma_start3A_137 = tpu.memref_slice %arg5[%dma_start3A_136] : memref<1000000xf32, #tpu.memory_space<hbm>> -> memref<1000000xf32, #tpu.memory_space<hbm>>
    tpu.enqueue_indirect_dma source(%dma_start3A_137 : memref<1000000xf32, #tpu.memory_space<hbm>>) target(%dma_start3A_132 : memref<128xf32, #tpu.memory_space<vmem>>) offsets(%dma_start3A_135 : memref<128xi32, #tpu.memory_space<vmem>>) semaphore(%arg16 : memref<!tpu.dma_semaphore, #tpu.memory_space<semaphore_mem>>)
    %dma_start3A_138 = arith.constant 3 : i32
    %dma_start3A_139 = arith.constant 384 : i32
    %dma_start3A_140 = tpu.memref_slice %arg14[%dma_start3A_139] : memref<512xf32, #tpu.memory_space<vmem>> -> memref<128xf32, #tpu.memory_space<vmem>>
    %dma_start3A_141 = arith.constant 0 : i32
    %dma_start3A_142 = tpu.memref_slice %arg10[%dma_start3A_138, %dma_start3A_141] : memref<4x128xi32, #tpu.memory_space<vmem>> -> memref<1x128xi32, #tpu.memory_space<vmem>>
    %dma_start3A_143 = tpu.memref_squeeze %dma_start3A_142 : memref<1x128xi32, #tpu.memory_space<vmem>> -> memref<128xi32, #tpu.memory_space<vmem>>
    %dma_start3A_144 = arith.constant 0 : i32
    %dma_start3A_145 = tpu.memref_slice %arg7[%dma_start3A_144] : memref<1000000xf32, #tpu.memory_space<hbm>> -> memref<1000000xf32, #tpu.memory_space<hbm>>
    tpu.enqueue_indirect_dma source(%dma_start3A_145 : memref<1000000xf32, #tpu.memory_space<hbm>>) target(%dma_start3A_140 : memref<128xf32, #tpu.memory_space<vmem>>) offsets(%dma_start3A_143 : memref<128xi32, #tpu.memory_space<vmem>>) semaphore(%arg16 : memref<!tpu.dma_semaphore, #tpu.memory_space<semaphore_mem>>)
    %dma_wait3A = arith.constant 0 : i32
    %dma_wait3A_146 = arith.constant 0 : i32
    %dma_wait3A_147 = arith.constant 0 : i32
    %dma_wait3A_148 = tpu.memref_slice %arg11[%dma_wait3A_146, %dma_wait3A_147] : memref<512x16xf32, #tpu.memory_space<vmem>> -> memref<128x16xf32, #tpu.memory_space<vmem>>
    %dma_wait3A_149 = arith.constant 0 : i32
    %dma_wait3A_150 = tpu.memref_slice %arg9[%dma_wait3A, %dma_wait3A_149] : memref<4x128xi32, #tpu.memory_space<vmem>> -> memref<1x128xi32, #tpu.memory_space<vmem>>
    %dma_wait3A_151 = tpu.memref_squeeze %dma_wait3A_150 : memref<1x128xi32, #tpu.memory_space<vmem>> -> memref<128xi32, #tpu.memory_space<vmem>>
    %dma_wait3A_152 = arith.constant 0 : i32
    %dma_wait3A_153 = arith.constant 0 : i32
    %dma_wait3A_154 = tpu.memref_slice %arg4[%dma_wait3A_152, %dma_wait3A_153] : memref<1000000x16xf32, #tpu.memory_space<hbm>> -> memref<1000000x16xf32, #tpu.memory_space<hbm>>
    tpu.wait_indirect_dma semaphore(%arg16 : memref<!tpu.dma_semaphore, #tpu.memory_space<semaphore_mem>>) src(%dma_wait3A_154 : memref<1000000x16xf32, #tpu.memory_space<hbm>>) dst(%dma_wait3A_148 : memref<128x16xf32, #tpu.memory_space<vmem>>)
    %dma_wait3A_155 = arith.constant 0 : i32
    %dma_wait3A_156 = arith.constant 0 : i32
    %dma_wait3A_157 = arith.constant 0 : i32
    %dma_wait3A_158 = tpu.memref_slice %arg12[%dma_wait3A_156, %dma_wait3A_157] : memref<512x16xf32, #tpu.memory_space<vmem>> -> memref<128x16xf32, #tpu.memory_space<vmem>>
    %dma_wait3A_159 = arith.constant 0 : i32
    %dma_wait3A_160 = tpu.memref_slice %arg10[%dma_wait3A_155, %dma_wait3A_159] : memref<4x128xi32, #tpu.memory_space<vmem>> -> memref<1x128xi32, #tpu.memory_space<vmem>>
    %dma_wait3A_161 = tpu.memref_squeeze %dma_wait3A_160 : memref<1x128xi32, #tpu.memory_space<vmem>> -> memref<128xi32, #tpu.memory_space<vmem>>
    %dma_wait3A_162 = arith.constant 0 : i32
    %dma_wait3A_163 = arith.constant 0 : i32
    %dma_wait3A_164 = tpu.memref_slice %arg6[%dma_wait3A_162, %dma_wait3A_163] : memref<1000000x16xf32, #tpu.memory_space<hbm>> -> memref<1000000x16xf32, #tpu.memory_space<hbm>>
    tpu.wait_indirect_dma semaphore(%arg16 : memref<!tpu.dma_semaphore, #tpu.memory_space<semaphore_mem>>) src(%dma_wait3A_164 : memref<1000000x16xf32, #tpu.memory_space<hbm>>) dst(%dma_wait3A_158 : memref<128x16xf32, #tpu.memory_space<vmem>>)
    %dma_wait3A_165 = arith.constant 0 : i32
    %dma_wait3A_166 = arith.constant 0 : i32
    %dma_wait3A_167 = tpu.memref_slice %arg13[%dma_wait3A_166] : memref<512xf32, #tpu.memory_space<vmem>> -> memref<128xf32, #tpu.memory_space<vmem>>
    %dma_wait3A_168 = arith.constant 0 : i32
    %dma_wait3A_169 = tpu.memref_slice %arg9[%dma_wait3A_165, %dma_wait3A_168] : memref<4x128xi32, #tpu.memory_space<vmem>> -> memref<1x128xi32, #tpu.memory_space<vmem>>
    %dma_wait3A_170 = tpu.memref_squeeze %dma_wait3A_169 : memref<1x128xi32, #tpu.memory_space<vmem>> -> memref<128xi32, #tpu.memory_space<vmem>>
    %dma_wait3A_171 = arith.constant 0 : i32
    %dma_wait3A_172 = tpu.memref_slice %arg5[%dma_wait3A_171] : memref<1000000xf32, #tpu.memory_space<hbm>> -> memref<1000000xf32, #tpu.memory_space<hbm>>
    tpu.wait_indirect_dma semaphore(%arg16 : memref<!tpu.dma_semaphore, #tpu.memory_space<semaphore_mem>>) src(%dma_wait3A_172 : memref<1000000xf32, #tpu.memory_space<hbm>>) dst(%dma_wait3A_167 : memref<128xf32, #tpu.memory_space<vmem>>)
    %dma_wait3A_173 = arith.constant 0 : i32
    %dma_wait3A_174 = arith.constant 0 : i32
    %dma_wait3A_175 = tpu.memref_slice %arg14[%dma_wait3A_174] : memref<512xf32, #tpu.memory_space<vmem>> -> memref<128xf32, #tpu.memory_space<vmem>>
    %dma_wait3A_176 = arith.constant 0 : i32
    %dma_wait3A_177 = tpu.memref_slice %arg10[%dma_wait3A_173, %dma_wait3A_176] : memref<4x128xi32, #tpu.memory_space<vmem>> -> memref<1x128xi32, #tpu.memory_space<vmem>>
    %dma_wait3A_178 = tpu.memref_squeeze %dma_wait3A_177 : memref<1x128xi32, #tpu.memory_space<vmem>> -> memref<128xi32, #tpu.memory_space<vmem>>
    %dma_wait3A_179 = arith.constant 0 : i32
    %dma_wait3A_180 = tpu.memref_slice %arg7[%dma_wait3A_179] : memref<1000000xf32, #tpu.memory_space<hbm>> -> memref<1000000xf32, #tpu.memory_space<hbm>>
    tpu.wait_indirect_dma semaphore(%arg16 : memref<!tpu.dma_semaphore, #tpu.memory_space<semaphore_mem>>) src(%dma_wait3A_180 : memref<1000000xf32, #tpu.memory_space<hbm>>) dst(%dma_wait3A_175 : memref<128xf32, #tpu.memory_space<vmem>>)
    %dma_wait3A_181 = arith.constant 1 : i32
    %dma_wait3A_182 = arith.constant 128 : i32
    %dma_wait3A_183 = arith.constant 0 : i32
    %dma_wait3A_184 = tpu.memref_slice %arg11[%dma_wait3A_182, %dma_wait3A_183] : memref<512x16xf32, #tpu.memory_space<vmem>> -> memref<128x16xf32, #tpu.memory_space<vmem>>
    %dma_wait3A_185 = arith.constant 0 : i32
    %dma_wait3A_186 = tpu.memref_slice %arg9[%dma_wait3A_181, %dma_wait3A_185] : memref<4x128xi32, #tpu.memory_space<vmem>> -> memref<1x128xi32, #tpu.memory_space<vmem>>
    %dma_wait3A_187 = tpu.memref_squeeze %dma_wait3A_186 : memref<1x128xi32, #tpu.memory_space<vmem>> -> memref<128xi32, #tpu.memory_space<vmem>>
    %dma_wait3A_188 = arith.constant 0 : i32
    %dma_wait3A_189 = arith.constant 0 : i32
    %dma_wait3A_190 = tpu.memref_slice %arg4[%dma_wait3A_188, %dma_wait3A_189] : memref<1000000x16xf32, #tpu.memory_space<hbm>> -> memref<1000000x16xf32, #tpu.memory_space<hbm>>
    tpu.wait_indirect_dma semaphore(%arg16 : memref<!tpu.dma_semaphore, #tpu.memory_space<semaphore_mem>>) src(%dma_wait3A_190 : memref<1000000x16xf32, #tpu.memory_space<hbm>>) dst(%dma_wait3A_184 : memref<128x16xf32, #tpu.memory_space<vmem>>)
    %dma_wait3A_191 = arith.constant 1 : i32
    %dma_wait3A_192 = arith.constant 128 : i32
    %dma_wait3A_193 = arith.constant 0 : i32
    %dma_wait3A_194 = tpu.memref_slice %arg12[%dma_wait3A_192, %dma_wait3A_193] : memref<512x16xf32, #tpu.memory_space<vmem>> -> memref<128x16xf32, #tpu.memory_space<vmem>>
    %dma_wait3A_195 = arith.constant 0 : i32
    %dma_wait3A_196 = tpu.memref_slice %arg10[%dma_wait3A_191, %dma_wait3A_195] : memref<4x128xi32, #tpu.memory_space<vmem>> -> memref<1x128xi32, #tpu.memory_space<vmem>>
    %dma_wait3A_197 = tpu.memref_squeeze %dma_wait3A_196 : memref<1x128xi32, #tpu.memory_space<vmem>> -> memref<128xi32, #tpu.memory_space<vmem>>
    %dma_wait3A_198 = arith.constant 0 : i32
    %dma_wait3A_199 = arith.constant 0 : i32
    %dma_wait3A_200 = tpu.memref_slice %arg6[%dma_wait3A_198, %dma_wait3A_199] : memref<1000000x16xf32, #tpu.memory_space<hbm>> -> memref<1000000x16xf32, #tpu.memory_space<hbm>>
    tpu.wait_indirect_dma semaphore(%arg16 : memref<!tpu.dma_semaphore, #tpu.memory_space<semaphore_mem>>) src(%dma_wait3A_200 : memref<1000000x16xf32, #tpu.memory_space<hbm>>) dst(%dma_wait3A_194 : memref<128x16xf32, #tpu.memory_space<vmem>>)
    %dma_wait3A_201 = arith.constant 1 : i32
    %dma_wait3A_202 = arith.constant 128 : i32
    %dma_wait3A_203 = tpu.memref_slice %arg13[%dma_wait3A_202] : memref<512xf32, #tpu.memory_space<vmem>> -> memref<128xf32, #tpu.memory_space<vmem>>
    %dma_wait3A_204 = arith.constant 0 : i32
    %dma_wait3A_205 = tpu.memref_slice %arg9[%dma_wait3A_201, %dma_wait3A_204] : memref<4x128xi32, #tpu.memory_space<vmem>> -> memref<1x128xi32, #tpu.memory_space<vmem>>
    %dma_wait3A_206 = tpu.memref_squeeze %dma_wait3A_205 : memref<1x128xi32, #tpu.memory_space<vmem>> -> memref<128xi32, #tpu.memory_space<vmem>>
    %dma_wait3A_207 = arith.constant 0 : i32
    %dma_wait3A_208 = tpu.memref_slice %arg5[%dma_wait3A_207] : memref<1000000xf32, #tpu.memory_space<hbm>> -> memref<1000000xf32, #tpu.memory_space<hbm>>
    tpu.wait_indirect_dma semaphore(%arg16 : memref<!tpu.dma_semaphore, #tpu.memory_space<semaphore_mem>>) src(%dma_wait3A_208 : memref<1000000xf32, #tpu.memory_space<hbm>>) dst(%dma_wait3A_203 : memref<128xf32, #tpu.memory_space<vmem>>)
    %dma_wait3A_209 = arith.constant 1 : i32
    %dma_wait3A_210 = arith.constant 128 : i32
    %dma_wait3A_211 = tpu.memref_slice %arg14[%dma_wait3A_210] : memref<512xf32, #tpu.memory_space<vmem>> -> memref<128xf32, #tpu.memory_space<vmem>>
    %dma_wait3A_212 = arith.constant 0 : i32
    %dma_wait3A_213 = tpu.memref_slice %arg10[%dma_wait3A_209, %dma_wait3A_212] : memref<4x128xi32, #tpu.memory_space<vmem>> -> memref<1x128xi32, #tpu.memory_space<vmem>>
    %dma_wait3A_214 = tpu.memref_squeeze %dma_wait3A_213 : memref<1x128xi32, #tpu.memory_space<vmem>> -> memref<128xi32, #tpu.memory_space<vmem>>
    %dma_wait3A_215 = arith.constant 0 : i32
    %dma_wait3A_216 = tpu.memref_slice %arg7[%dma_wait3A_215] : memref<1000000xf32, #tpu.memory_space<hbm>> -> memref<1000000xf32, #tpu.memory_space<hbm>>
    tpu.wait_indirect_dma semaphore(%arg16 : memref<!tpu.dma_semaphore, #tpu.memory_space<semaphore_mem>>) src(%dma_wait3A_216 : memref<1000000xf32, #tpu.memory_space<hbm>>) dst(%dma_wait3A_211 : memref<128xf32, #tpu.memory_space<vmem>>)
    %dma_wait3A_217 = arith.constant 2 : i32
    %dma_wait3A_218 = arith.constant 256 : i32
    %dma_wait3A_219 = arith.constant 0 : i32
    %dma_wait3A_220 = tpu.memref_slice %arg11[%dma_wait3A_218, %dma_wait3A_219] : memref<512x16xf32, #tpu.memory_space<vmem>> -> memref<128x16xf32, #tpu.memory_space<vmem>>
    %dma_wait3A_221 = arith.constant 0 : i32
    %dma_wait3A_222 = tpu.memref_slice %arg9[%dma_wait3A_217, %dma_wait3A_221] : memref<4x128xi32, #tpu.memory_space<vmem>> -> memref<1x128xi32, #tpu.memory_space<vmem>>
    %dma_wait3A_223 = tpu.memref_squeeze %dma_wait3A_222 : memref<1x128xi32, #tpu.memory_space<vmem>> -> memref<128xi32, #tpu.memory_space<vmem>>
    %dma_wait3A_224 = arith.constant 0 : i32
    %dma_wait3A_225 = arith.constant 0 : i32
    %dma_wait3A_226 = tpu.memref_slice %arg4[%dma_wait3A_224, %dma_wait3A_225] : memref<1000000x16xf32, #tpu.memory_space<hbm>> -> memref<1000000x16xf32, #tpu.memory_space<hbm>>
    tpu.wait_indirect_dma semaphore(%arg16 : memref<!tpu.dma_semaphore, #tpu.memory_space<semaphore_mem>>) src(%dma_wait3A_226 : memref<1000000x16xf32, #tpu.memory_space<hbm>>) dst(%dma_wait3A_220 : memref<128x16xf32, #tpu.memory_space<vmem>>)
    %dma_wait3A_227 = arith.constant 2 : i32
    %dma_wait3A_228 = arith.constant 256 : i32
    %dma_wait3A_229 = arith.constant 0 : i32
    %dma_wait3A_230 = tpu.memref_slice %arg12[%dma_wait3A_228, %dma_wait3A_229] : memref<512x16xf32, #tpu.memory_space<vmem>> -> memref<128x16xf32, #tpu.memory_space<vmem>>
    %dma_wait3A_231 = arith.constant 0 : i32
    %dma_wait3A_232 = tpu.memref_slice %arg10[%dma_wait3A_227, %dma_wait3A_231] : memref<4x128xi32, #tpu.memory_space<vmem>> -> memref<1x128xi32, #tpu.memory_space<vmem>>
    %dma_wait3A_233 = tpu.memref_squeeze %dma_wait3A_232 : memref<1x128xi32, #tpu.memory_space<vmem>> -> memref<128xi32, #tpu.memory_space<vmem>>
    %dma_wait3A_234 = arith.constant 0 : i32
    %dma_wait3A_235 = arith.constant 0 : i32
    %dma_wait3A_236 = tpu.memref_slice %arg6[%dma_wait3A_234, %dma_wait3A_235] : memref<1000000x16xf32, #tpu.memory_space<hbm>> -> memref<1000000x16xf32, #tpu.memory_space<hbm>>
    tpu.wait_indirect_dma semaphore(%arg16 : memref<!tpu.dma_semaphore, #tpu.memory_space<semaphore_mem>>) src(%dma_wait3A_236 : memref<1000000x16xf32, #tpu.memory_space<hbm>>) dst(%dma_wait3A_230 : memref<128x16xf32, #tpu.memory_space<vmem>>)
    %dma_wait3A_237 = arith.constant 2 : i32
    %dma_wait3A_238 = arith.constant 256 : i32
    %dma_wait3A_239 = tpu.memref_slice %arg13[%dma_wait3A_238] : memref<512xf32, #tpu.memory_space<vmem>> -> memref<128xf32, #tpu.memory_space<vmem>>
    %dma_wait3A_240 = arith.constant 0 : i32
    %dma_wait3A_241 = tpu.memref_slice %arg9[%dma_wait3A_237, %dma_wait3A_240] : memref<4x128xi32, #tpu.memory_space<vmem>> -> memref<1x128xi32, #tpu.memory_space<vmem>>
    %dma_wait3A_242 = tpu.memref_squeeze %dma_wait3A_241 : memref<1x128xi32, #tpu.memory_space<vmem>> -> memref<128xi32, #tpu.memory_space<vmem>>
    %dma_wait3A_243 = arith.constant 0 : i32
    %dma_wait3A_244 = tpu.memref_slice %arg5[%dma_wait3A_243] : memref<1000000xf32, #tpu.memory_space<hbm>> -> memref<1000000xf32, #tpu.memory_space<hbm>>
    tpu.wait_indirect_dma semaphore(%arg16 : memref<!tpu.dma_semaphore, #tpu.memory_space<semaphore_mem>>) src(%dma_wait3A_244 : memref<1000000xf32, #tpu.memory_space<hbm>>) dst(%dma_wait3A_239 : memref<128xf32, #tpu.memory_space<vmem>>)
    %dma_wait3A_245 = arith.constant 2 : i32
    %dma_wait3A_246 = arith.constant 256 : i32
    %dma_wait3A_247 = tpu.memref_slice %arg14[%dma_wait3A_246] : memref<512xf32, #tpu.memory_space<vmem>> -> memref<128xf32, #tpu.memory_space<vmem>>
    %dma_wait3A_248 = arith.constant 0 : i32
    %dma_wait3A_249 = tpu.memref_slice %arg10[%dma_wait3A_245, %dma_wait3A_248] : memref<4x128xi32, #tpu.memory_space<vmem>> -> memref<1x128xi32, #tpu.memory_space<vmem>>
    %dma_wait3A_250 = tpu.memref_squeeze %dma_wait3A_249 : memref<1x128xi32, #tpu.memory_space<vmem>> -> memref<128xi32, #tpu.memory_space<vmem>>
    %dma_wait3A_251 = arith.constant 0 : i32
    %dma_wait3A_252 = tpu.memref_slice %arg7[%dma_wait3A_251] : memref<1000000xf32, #tpu.memory_space<hbm>> -> memref<1000000xf32, #tpu.memory_space<hbm>>
    tpu.wait_indirect_dma semaphore(%arg16 : memref<!tpu.dma_semaphore, #tpu.memory_space<semaphore_mem>>) src(%dma_wait3A_252 : memref<1000000xf32, #tpu.memory_space<hbm>>) dst(%dma_wait3A_247 : memref<128xf32, #tpu.memory_space<vmem>>)
    %dma_wait3A_253 = arith.constant 3 : i32
    %dma_wait3A_254 = arith.constant 384 : i32
    %dma_wait3A_255 = arith.constant 0 : i32
    %dma_wait3A_256 = tpu.memref_slice %arg11[%dma_wait3A_254, %dma_wait3A_255] : memref<512x16xf32, #tpu.memory_space<vmem>> -> memref<128x16xf32, #tpu.memory_space<vmem>>
    %dma_wait3A_257 = arith.constant 0 : i32
    %dma_wait3A_258 = tpu.memref_slice %arg9[%dma_wait3A_253, %dma_wait3A_257] : memref<4x128xi32, #tpu.memory_space<vmem>> -> memref<1x128xi32, #tpu.memory_space<vmem>>
    %dma_wait3A_259 = tpu.memref_squeeze %dma_wait3A_258 : memref<1x128xi32, #tpu.memory_space<vmem>> -> memref<128xi32, #tpu.memory_space<vmem>>
    %dma_wait3A_260 = arith.constant 0 : i32
    %dma_wait3A_261 = arith.constant 0 : i32
    %dma_wait3A_262 = tpu.memref_slice %arg4[%dma_wait3A_260, %dma_wait3A_261] : memref<1000000x16xf32, #tpu.memory_space<hbm>> -> memref<1000000x16xf32, #tpu.memory_space<hbm>>
    tpu.wait_indirect_dma semaphore(%arg16 : memref<!tpu.dma_semaphore, #tpu.memory_space<semaphore_mem>>) src(%dma_wait3A_262 : memref<1000000x16xf32, #tpu.memory_space<hbm>>) dst(%dma_wait3A_256 : memref<128x16xf32, #tpu.memory_space<vmem>>)
    %dma_wait3A_263 = arith.constant 3 : i32
    %dma_wait3A_264 = arith.constant 384 : i32
    %dma_wait3A_265 = arith.constant 0 : i32
    %dma_wait3A_266 = tpu.memref_slice %arg12[%dma_wait3A_264, %dma_wait3A_265] : memref<512x16xf32, #tpu.memory_space<vmem>> -> memref<128x16xf32, #tpu.memory_space<vmem>>
    %dma_wait3A_267 = arith.constant 0 : i32
    %dma_wait3A_268 = tpu.memref_slice %arg10[%dma_wait3A_263, %dma_wait3A_267] : memref<4x128xi32, #tpu.memory_space<vmem>> -> memref<1x128xi32, #tpu.memory_space<vmem>>
    %dma_wait3A_269 = tpu.memref_squeeze %dma_wait3A_268 : memref<1x128xi32, #tpu.memory_space<vmem>> -> memref<128xi32, #tpu.memory_space<vmem>>
    %dma_wait3A_270 = arith.constant 0 : i32
    %dma_wait3A_271 = arith.constant 0 : i32
    %dma_wait3A_272 = tpu.memref_slice %arg6[%dma_wait3A_270, %dma_wait3A_271] : memref<1000000x16xf32, #tpu.memory_space<hbm>> -> memref<1000000x16xf32, #tpu.memory_space<hbm>>
    tpu.wait_indirect_dma semaphore(%arg16 : memref<!tpu.dma_semaphore, #tpu.memory_space<semaphore_mem>>) src(%dma_wait3A_272 : memref<1000000x16xf32, #tpu.memory_space<hbm>>) dst(%dma_wait3A_266 : memref<128x16xf32, #tpu.memory_space<vmem>>)
    %dma_wait3A_273 = arith.constant 3 : i32
    %dma_wait3A_274 = arith.constant 384 : i32
    %dma_wait3A_275 = tpu.memref_slice %arg13[%dma_wait3A_274] : memref<512xf32, #tpu.memory_space<vmem>> -> memref<128xf32, #tpu.memory_space<vmem>>
    %dma_wait3A_276 = arith.constant 0 : i32
    %dma_wait3A_277 = tpu.memref_slice %arg9[%dma_wait3A_273, %dma_wait3A_276] : memref<4x128xi32, #tpu.memory_space<vmem>> -> memref<1x128xi32, #tpu.memory_space<vmem>>
    %dma_wait3A_278 = tpu.memref_squeeze %dma_wait3A_277 : memref<1x128xi32, #tpu.memory_space<vmem>> -> memref<128xi32, #tpu.memory_space<vmem>>
    %dma_wait3A_279 = arith.constant 0 : i32
    %dma_wait3A_280 = tpu.memref_slice %arg5[%dma_wait3A_279] : memref<1000000xf32, #tpu.memory_space<hbm>> -> memref<1000000xf32, #tpu.memory_space<hbm>>
    tpu.wait_indirect_dma semaphore(%arg16 : memref<!tpu.dma_semaphore, #tpu.memory_space<semaphore_mem>>) src(%dma_wait3A_280 : memref<1000000xf32, #tpu.memory_space<hbm>>) dst(%dma_wait3A_275 : memref<128xf32, #tpu.memory_space<vmem>>)
    %dma_wait3A_281 = arith.constant 3 : i32
    %dma_wait3A_282 = arith.constant 384 : i32
    %dma_wait3A_283 = tpu.memref_slice %arg14[%dma_wait3A_282] : memref<512xf32, #tpu.memory_space<vmem>> -> memref<128xf32, #tpu.memory_space<vmem>>
    %dma_wait3A_284 = arith.constant 0 : i32
    %dma_wait3A_285 = tpu.memref_slice %arg10[%dma_wait3A_281, %dma_wait3A_284] : memref<4x128xi32, #tpu.memory_space<vmem>> -> memref<1x128xi32, #tpu.memory_space<vmem>>
    %dma_wait3A_286 = tpu.memref_squeeze %dma_wait3A_285 : memref<1x128xi32, #tpu.memory_space<vmem>> -> memref<128xi32, #tpu.memory_space<vmem>>
    %dma_wait3A_287 = arith.constant 0 : i32
    %dma_wait3A_288 = tpu.memref_slice %arg7[%dma_wait3A_287] : memref<1000000xf32, #tpu.memory_space<hbm>> -> memref<1000000xf32, #tpu.memory_space<hbm>>
    tpu.wait_indirect_dma semaphore(%arg16 : memref<!tpu.dma_semaphore, #tpu.memory_space<semaphore_mem>>) src(%dma_wait3A_288 : memref<1000000xf32, #tpu.memory_space<hbm>>) dst(%dma_wait3A_283 : memref<128xf32, #tpu.memory_space<vmem>>)
    %iota3A = tpu.iota {dimensions = array<i32: 0>} : vector<16xi32>
    %scan3A = arith.constant 0 : i32
    %scan3A_289 = arith.constant 32 : i32
    %scan3A_290 = arith.addi %scan3A, %scan3A_289 : i32
    %scan3A_291 = arith.constant 1 : i32
    scf.for %scan3A_295 = %scan3A to %scan3A_290 step %scan3A_291  : i32 {
      %mul3A_296 = arith.constant 16 : i32
      %mul3A_297 = arith.muli %scan3A_295, %mul3A_296 : i32
      %add3A_298 = vector.broadcast %mul3A_297 : i32 to vector<16xi32>
      %add3A_299 = arith.addi %add3A_298, %iota3A : vector<16xi32>
      %mul3A_300 = arith.constant 16 : i32
      %mul3A_301 = arith.muli %scan3A_295, %mul3A_300 : i32
      %get3A = arith.index_cast %mul3A_301 : i32 to index
      %get3A_302 = tpu.vector_load %arg13[%get3A] {strides = array<i32>} : memref<512xf32, #tpu.memory_space<vmem>>, vector<16xf32>,
      %mul3A_303 = arith.constant 16 : i32
      %mul3A_304 = arith.muli %scan3A_295, %mul3A_303 : i32
      %get3A_305 = arith.index_cast %mul3A_304 : i32 to index
      %get3A_306 = tpu.vector_load %arg14[%get3A_305] {strides = array<i32>} : memref<512xf32, #tpu.memory_space<vmem>>, vector<16xf32>,
      %add3A_307 = arith.addf %get3A_302, %get3A_306 : vector<16xf32>
      %broadcast_in_dim3A = arith.constant 0 : i32
      %broadcast_in_dim3A_308 = vector.broadcast %broadcast_in_dim3A : i32 to vector<16xi32>
      %gather3A = tpu.vector_load_idx %arg11[%add3A_299, %broadcast_in_dim3A_308] : memref<512x16xf32, #tpu.memory_space<vmem>>[vector<16xi32>, vector<16xi32>], vector<16xf32>,
      %gather3A_309 = tpu.vector_load_idx %arg12[%add3A_299, %broadcast_in_dim3A_308] : memref<512x16xf32, #tpu.memory_space<vmem>>[vector<16xi32>, vector<16xi32>], vector<16xf32>,
      %mul3A_310 = arith.mulf %gather3A, %gather3A_309 : vector<16xf32>
      %add3A_311 = arith.addf %add3A_307, %mul3A_310 : vector<16xf32>
      %broadcast_in_dim3A_312 = arith.constant 1 : i32
      %broadcast_in_dim3A_313 = vector.broadcast %broadcast_in_dim3A_312 : i32 to vector<16xi32>
      %gather3A_314 = tpu.vector_load_idx %arg11[%add3A_299, %broadcast_in_dim3A_313] : memref<512x16xf32, #tpu.memory_space<vmem>>[vector<16xi32>, vector<16xi32>], vector<16xf32>,
      %gather3A_315 = tpu.vector_load_idx %arg12[%add3A_299, %broadcast_in_dim3A_313] : memref<512x16xf32, #tpu.memory_space<vmem>>[vector<16xi32>, vector<16xi32>], vector<16xf32>,
      %mul3A_316 = arith.mulf %gather3A_314, %gather3A_315 : vector<16xf32>
      %add3A_317 = arith.addf %add3A_311, %mul3A_316 : vector<16xf32>
      %broadcast_in_dim3A_318 = arith.constant 2 : i32
      %broadcast_in_dim3A_319 = vector.broadcast %broadcast_in_dim3A_318 : i32 to vector<16xi32>
      %gather3A_320 = tpu.vector_load_idx %arg11[%add3A_299, %broadcast_in_dim3A_319] : memref<512x16xf32, #tpu.memory_space<vmem>>[vector<16xi32>, vector<16xi32>], vector<16xf32>,
      %gather3A_321 = tpu.vector_load_idx %arg12[%add3A_299, %broadcast_in_dim3A_319] : memref<512x16xf32, #tpu.memory_space<vmem>>[vector<16xi32>, vector<16xi32>], vector<16xf32>,
      %mul3A_322 = arith.mulf %gather3A_320, %gather3A_321 : vector<16xf32>
      %add3A_323 = arith.addf %add3A_317, %mul3A_322 : vector<16xf32>
      %broadcast_in_dim3A_324 = arith.constant 3 : i32
      %broadcast_in_dim3A_325 = vector.broadcast %broadcast_in_dim3A_324 : i32 to vector<16xi32>
      %gather3A_326 = tpu.vector_load_idx %arg11[%add3A_299, %broadcast_in_dim3A_325] : memref<512x16xf32, #tpu.memory_space<vmem>>[vector<16xi32>, vector<16xi32>], vector<16xf32>,
      %gather3A_327 = tpu.vector_load_idx %arg12[%add3A_299, %broadcast_in_dim3A_325] : memref<512x16xf32, #tpu.memory_space<vmem>>[vector<16xi32>, vector<16xi32>], vector<16xf32>,
      %mul3A_328 = arith.mulf %gather3A_326, %gather3A_327 : vector<16xf32>
      %add3A_329 = arith.addf %add3A_323, %mul3A_328 : vector<16xf32>
      %broadcast_in_dim3A_330 = arith.constant 4 : i32
      %broadcast_in_dim3A_331 = vector.broadcast %broadcast_in_dim3A_330 : i32 to vector<16xi32>
      %gather3A_332 = tpu.vector_load_idx %arg11[%add3A_299, %broadcast_in_dim3A_331] : memref<512x16xf32, #tpu.memory_space<vmem>>[vector<16xi32>, vector<16xi32>], vector<16xf32>,
      %gather3A_333 = tpu.vector_load_idx %arg12[%add3A_299, %broadcast_in_dim3A_331] : memref<512x16xf32, #tpu.memory_space<vmem>>[vector<16xi32>, vector<16xi32>], vector<16xf32>,
      %mul3A_334 = arith.mulf %gather3A_332, %gather3A_333 : vector<16xf32>
      %add3A_335 = arith.addf %add3A_329, %mul3A_334 : vector<16xf32>
      %broadcast_in_dim3A_336 = arith.constant 5 : i32
      %broadcast_in_dim3A_337 = vector.broadcast %broadcast_in_dim3A_336 : i32 to vector<16xi32>
      %gather3A_338 = tpu.vector_load_idx %arg11[%add3A_299, %broadcast_in_dim3A_337] : memref<512x16xf32, #tpu.memory_space<vmem>>[vector<16xi32>, vector<16xi32>], vector<16xf32>,
      %gather3A_339 = tpu.vector_load_idx %arg12[%add3A_299, %broadcast_in_dim3A_337] : memref<512x16xf32, #tpu.memory_space<vmem>>[vector<16xi32>, vector<16xi32>], vector<16xf32>,
      %mul3A_340 = arith.mulf %gather3A_338, %gather3A_339 : vector<16xf32>
      %add3A_341 = arith.addf %add3A_335, %mul3A_340 : vector<16xf32>
      %broadcast_in_dim3A_342 = arith.constant 6 : i32
      %broadcast_in_dim3A_343 = vector.broadcast %broadcast_in_dim3A_342 : i32 to vector<16xi32>
      %gather3A_344 = tpu.vector_load_idx %arg11[%add3A_299, %broadcast_in_dim3A_343] : memref<512x16xf32, #tpu.memory_space<vmem>>[vector<16xi32>, vector<16xi32>], vector<16xf32>,
      %gather3A_345 = tpu.vector_load_idx %arg12[%add3A_299, %broadcast_in_dim3A_343] : memref<512x16xf32, #tpu.memory_space<vmem>>[vector<16xi32>, vector<16xi32>], vector<16xf32>,
      %mul3A_346 = arith.mulf %gather3A_344, %gather3A_345 : vector<16xf32>
      %add3A_347 = arith.addf %add3A_341, %mul3A_346 : vector<16xf32>
      %broadcast_in_dim3A_348 = arith.constant 7 : i32
      %broadcast_in_dim3A_349 = vector.broadcast %broadcast_in_dim3A_348 : i32 to vector<16xi32>
      %gather3A_350 = tpu.vector_load_idx %arg11[%add3A_299, %broadcast_in_dim3A_349] : memref<512x16xf32, #tpu.memory_space<vmem>>[vector<16xi32>, vector<16xi32>], vector<16xf32>,
      %gather3A_351 = tpu.vector_load_idx %arg12[%add3A_299, %broadcast_in_dim3A_349] : memref<512x16xf32, #tpu.memory_space<vmem>>[vector<16xi32>, vector<16xi32>], vector<16xf32>,
      %mul3A_352 = arith.mulf %gather3A_350, %gather3A_351 : vector<16xf32>
      %add3A_353 = arith.addf %add3A_347, %mul3A_352 : vector<16xf32>
      %broadcast_in_dim3A_354 = arith.constant 8 : i32
      %broadcast_in_dim3A_355 = vector.broadcast %broadcast_in_dim3A_354 : i32 to vector<16xi32>
      %gather3A_356 = tpu.vector_load_idx %arg11[%add3A_299, %broadcast_in_dim3A_355] : memref<512x16xf32, #tpu.memory_space<vmem>>[vector<16xi32>, vector<16xi32>], vector<16xf32>,
      %gather3A_357 = tpu.vector_load_idx %arg12[%add3A_299, %broadcast_in_dim3A_355] : memref<512x16xf32, #tpu.memory_space<vmem>>[vector<16xi32>, vector<16xi32>], vector<16xf32>,
      %mul3A_358 = arith.mulf %gather3A_356, %gather3A_357 : vector<16xf32>
      %add3A_359 = arith.addf %add3A_353, %mul3A_358 : vector<16xf32>
      %broadcast_in_dim3A_360 = arith.constant 9 : i32
      %broadcast_in_dim3A_361 = vector.broadcast %broadcast_in_dim3A_360 : i32 to vector<16xi32>
      %gather3A_362 = tpu.vector_load_idx %arg11[%add3A_299, %broadcast_in_dim3A_361] : memref<512x16xf32, #tpu.memory_space<vmem>>[vector<16xi32>, vector<16xi32>], vector<16xf32>,
      %gather3A_363 = tpu.vector_load_idx %arg12[%add3A_299, %broadcast_in_dim3A_361] : memref<512x16xf32, #tpu.memory_space<vmem>>[vector<16xi32>, vector<16xi32>], vector<16xf32>,
      %mul3A_364 = arith.mulf %gather3A_362, %gather3A_363 : vector<16xf32>
      %add3A_365 = arith.addf %add3A_359, %mul3A_364 : vector<16xf32>
      %broadcast_in_dim3A_366 = arith.constant 10 : i32
      %broadcast_in_dim3A_367 = vector.broadcast %broadcast_in_dim3A_366 : i32 to vector<16xi32>
      %gather3A_368 = tpu.vector_load_idx %arg11[%add3A_299, %broadcast_in_dim3A_367] : memref<512x16xf32, #tpu.memory_space<vmem>>[vector<16xi32>, vector<16xi32>], vector<16xf32>,
      %gather3A_369 = tpu.vector_load_idx %arg12[%add3A_299, %broadcast_in_dim3A_367] : memref<512x16xf32, #tpu.memory_space<vmem>>[vector<16xi32>, vector<16xi32>], vector<16xf32>,
      %mul3A_370 = arith.mulf %gather3A_368, %gather3A_369 : vector<16xf32>
      %add3A_371 = arith.addf %add3A_365, %mul3A_370 : vector<16xf32>
      %broadcast_in_dim3A_372 = arith.constant 11 : i32
      %broadcast_in_dim3A_373 = vector.broadcast %broadcast_in_dim3A_372 : i32 to vector<16xi32>
      %gather3A_374 = tpu.vector_load_idx %arg11[%add3A_299, %broadcast_in_dim3A_373] : memref<512x16xf32, #tpu.memory_space<vmem>>[vector<16xi32>, vector<16xi32>], vector<16xf32>,
      %gather3A_375 = tpu.vector_load_idx %arg12[%add3A_299, %broadcast_in_dim3A_373] : memref<512x16xf32, #tpu.memory_space<vmem>>[vector<16xi32>, vector<16xi32>], vector<16xf32>,
      %mul3A_376 = arith.mulf %gather3A_374, %gather3A_375 : vector<16xf32>
      %add3A_377 = arith.addf %add3A_371, %mul3A_376 : vector<16xf32>
      %broadcast_in_dim3A_378 = arith.constant 12 : i32
      %broadcast_in_dim3A_379 = vector.broadcast %broadcast_in_dim3A_378 : i32 to vector<16xi32>
      %gather3A_380 = tpu.vector_load_idx %arg11[%add3A_299, %broadcast_in_dim3A_379] : memref<512x16xf32, #tpu.memory_space<vmem>>[vector<16xi32>, vector<16xi32>], vector<16xf32>,
      %gather3A_381 = tpu.vector_load_idx %arg12[%add3A_299, %broadcast_in_dim3A_379] : memref<512x16xf32, #tpu.memory_space<vmem>>[vector<16xi32>, vector<16xi32>], vector<16xf32>,
      %mul3A_382 = arith.mulf %gather3A_380, %gather3A_381 : vector<16xf32>
      %add3A_383 = arith.addf %add3A_377, %mul3A_382 : vector<16xf32>
      %broadcast_in_dim3A_384 = arith.constant 13 : i32
      %broadcast_in_dim3A_385 = vector.broadcast %broadcast_in_dim3A_384 : i32 to vector<16xi32>
      %gather3A_386 = tpu.vector_load_idx %arg11[%add3A_299, %broadcast_in_dim3A_385] : memref<512x16xf32, #tpu.memory_space<vmem>>[vector<16xi32>, vector<16xi32>], vector<16xf32>,
      %gather3A_387 = tpu.vector_load_idx %arg12[%add3A_299, %broadcast_in_dim3A_385] : memref<512x16xf32, #tpu.memory_space<vmem>>[vector<16xi32>, vector<16xi32>], vector<16xf32>,
      %mul3A_388 = arith.mulf %gather3A_386, %gather3A_387 : vector<16xf32>
      %add3A_389 = arith.addf %add3A_383, %mul3A_388 : vector<16xf32>
      %broadcast_in_dim3A_390 = arith.constant 14 : i32
      %broadcast_in_dim3A_391 = vector.broadcast %broadcast_in_dim3A_390 : i32 to vector<16xi32>
      %gather3A_392 = tpu.vector_load_idx %arg11[%add3A_299, %broadcast_in_dim3A_391] : memref<512x16xf32, #tpu.memory_space<vmem>>[vector<16xi32>, vector<16xi32>], vector<16xf32>,
      %gather3A_393 = tpu.vector_load_idx %arg12[%add3A_299, %broadcast_in_dim3A_391] : memref<512x16xf32, #tpu.memory_space<vmem>>[vector<16xi32>, vector<16xi32>], vector<16xf32>,
      %mul3A_394 = arith.mulf %gather3A_392, %gather3A_393 : vector<16xf32>
      %add3A_395 = arith.addf %add3A_389, %mul3A_394 : vector<16xf32>
      %broadcast_in_dim3A_396 = arith.constant 15 : i32
      %broadcast_in_dim3A_397 = vector.broadcast %broadcast_in_dim3A_396 : i32 to vector<16xi32>
      %gather3A_398 = tpu.vector_load_idx %arg11[%add3A_299, %broadcast_in_dim3A_397] : memref<512x16xf32, #tpu.memory_space<vmem>>[vector<16xi32>, vector<16xi32>], vector<16xf32>,
      %gather3A_399 = tpu.vector_load_idx %arg12[%add3A_299, %broadcast_in_dim3A_397] : memref<512x16xf32, #tpu.memory_space<vmem>>[vector<16xi32>, vector<16xi32>], vector<16xf32>,
      %mul3A_400 = arith.mulf %gather3A_398, %gather3A_399 : vector<16xf32>
      %add3A_401 = arith.addf %add3A_395, %mul3A_400 : vector<16xf32>
      %neg3A = arith.constant 0.000000e+00 : f32
      %neg3A_402 = vector.broadcast %neg3A : f32 to vector<16xf32>
      %neg3A_403 = arith.subf %neg3A_402, %add3A_401 : vector<16xf32>
      %exp3A = math.exp %neg3A_403 : vector<16xf32>
      %add3A_404 = arith.constant 1.000000e+00 : f32
      %add3A_405 = vector.broadcast %add3A_404 : f32 to vector<16xf32>
      %add3A_406 = arith.addf %add3A_405, %exp3A : vector<16xf32>
      %div3A = arith.constant 1.000000e+00 : f32
      %div3A_407 = vector.broadcast %div3A : f32 to vector<16xf32>
      %div3A_408 = arith.divf %div3A_407, %add3A_406 : vector<16xf32>
      %mul3A_409 = arith.constant 16 : i32
      %mul3A_410 = arith.muli %scan3A_295, %mul3A_409 : i32
      %swap3A = arith.index_cast %mul3A_410 : i32 to index
      %swap3A_411 = tpu.vector_load %arg15[%swap3A] {strides = array<i32>} : memref<512xf32, #tpu.memory_space<vmem>>, vector<16xf32>,
      tpu.vector_store %arg15[%swap3A], %div3A_408 {strides = array<i32>} : memref<512xf32, #tpu.memory_space<vmem>>, vector<16xf32>,
    }
    %scan3A_292 = arith.constant 32 : i32
    %mul3A_293 = arith.constant 512 : i32
    %mul3A_294 = arith.muli %add3A, %mul3A_293 : i32
    "tpu.region"() ({
      %run_scoped3A = tpu.sem_alloc : memref<!tpu.dma_semaphore, #tpu.memory_space<semaphore_mem>>
      %dma_start3A_295 = tpu.memref_slice %arg8[%mul3A_294] : memref<16384xf32, #tpu.memory_space<hbm>> -> memref<512xf32, #tpu.memory_space<hbm>>
      %dma_start3A_296 = tpu.memref_slice %arg8[%mul3A_294] : memref<16384xf32, #tpu.memory_space<hbm>> -> memref<512xf32, #tpu.memory_space<hbm>>
      tpu.enqueue_dma source(%arg15 : memref<512xf32, #tpu.memory_space<vmem>>) target(%dma_start3A_296 : memref<512xf32, #tpu.memory_space<hbm>>) target_semaphore(%run_scoped3A : memref<!tpu.dma_semaphore, #tpu.memory_space<semaphore_mem>>)
      %dma_wait3A_297 = tpu.memref_slice %arg8[%mul3A_294] : memref<16384xf32, #tpu.memory_space<hbm>> -> memref<512xf32, #tpu.memory_space<hbm>>
      %dma_wait3A_298 = tpu.memref_slice %arg8[%mul3A_294] : memref<16384xf32, #tpu.memory_space<hbm>> -> memref<512xf32, #tpu.memory_space<hbm>>
      tpu.wait_dma2 semaphore(%run_scoped3A : memref<!tpu.dma_semaphore, #tpu.memory_space<semaphore_mem>>) src(%arg15 : memref<512xf32, #tpu.memory_space<vmem>>) dst(%dma_wait3A_298 : memref<512xf32, #tpu.memory_space<hbm>>)
      tpu.yield
    }) : () -> ()
    return
  }
}

</mosaic_0001>

<sc_bundles>
// kernel: kernel.3.cloned.1.call-start
scs
__scs_entry_jumppad:
0x0: {  	(pc) =	sbr.rel $0x88, $3  }
0x1: {  	(tag) =	ssettag $0x0;
	lr =	simm.s32 $0x1  }
0x2: {  	[smem:$0x3F9C] =	sst lr;
	_ =	strace $0xD0000000  }
0x3: {  	_ = 	snop  }
0x4: {  	_ = 	snop  }
0x5: {  	_ = 	snop  }
0x6: {  	_ = 	snop  }
0x7: {  	_ = 	snop  }
__scs_overlays_trampoline_lowered:
0x8: {  	[smem:$0x3FAB] =	sst s0  }
0x9: {  	[smem:$0x3FAC] =	sst s1  }
0xa: {  	[smem:$0x3FAD] =	sst s2  }
0xb: {  	[smem:$0x3FAE] =	sst s3  }
0xc: {  	[smem:$0x3FAF] =	sst s4  }
0xd: {  	[smem:$0x3FB0] =	sst s5  }
0xe: {  	[smem:$0x3FB1] =	sst s6  }
0xf: {  	[smem:$0x3FB2] =	sst s7  }
0x10: {  	[smem:$0x3FB3] =	sst s8  }
0x11: {  	[smem:$0x3FB4] =	sst s9;
	s0 =	simm.s32 @!p0 $0x0  }
0x12: {  	s1 =	sld [smem:$0x3F9A];
	s0 =	simm.s32 @p0 $0x1  }
0x13: {  	[smem:$0x3FB5] =	sst s0;
	s0 =	simm.s32 @!p1 $0x0  }
0x14: {  	s2 =	sld [smem:$0x3F99];
	s0 =	simm.s32 @p1 $0x1  }
0x15: {  	[smem:$0x3FB6] =	sst s0;
	s0 =	simm.s32 @!p2 $0x0  }
0x16: {  	s3 =	sld [smem:$0x3FDB];
	s0 =	simm.s32 @p2 $0x1  }
0x17: {  	s4 =	simm.s32 $0x1BF5;
	[smem:$0x3FB8] =	sst s0  }
0x18: {  	s0 =	sld [smem:$0x3F9B];
	_ =	swait.ge [sflag:s4], $0x0  }
0x19: {  	s7 =	sld [smem:$0x3F9C]  }
0x1a: {  	s8 =	sadd.s32 $0xFFFFE003, lr  }
0x1b: {  	s9 =	sadd.s32 $0xFFFFFEF7, lr;
	s5 =	simm.s32 $0xFFFFFFFF;
	p2 =	slt.u32 s8, $0xFFFFF086  }
0x1c: {  	p1 =	slt.u32 s9, $0xF7A;
	s5 =	simm.s32 @!p2 $0x0  }
0x1d: {  	s5 =	simm.s32 @p1 $0x1;
	p0 =	seq.s32 s7, s2  }
0x1e: {  	s7 =	smul.u32 @!p0 $0xF7A, s2;
	p2 =	seq.s32 @!p0 s5, $0x0  }
0x1f: {  	s9 =	smul.u32 $0xF7A, s1;
	s8 =	simm.s32 @!p0 $0x1BF5;
	p2 =	por !p2, p0  }
0x20: {  	[sflag:s8] =	ssyncset.s32 @!p0 $0xFFFFF086;
	s6 =	sadd.s32 @!p0 s3, s7;
	s7 =	simm.s32 @!p0 $0x108  }
0x21: {  	s3 =	sadd.s32 s3, s9;
	s6 =	sadd.s32 @!p0 $0x88, s6;
	s7 =	simm.s32 @p2 $0x1082  }
0x22: {  	[simem:s7], [sflag:s8] =	dma.local @!p0 [hbm:s6], $0xF7A  }
0x23: {  	s9 =	sor.u32 $0xD0000000, s2;
	s6 =	simm.s32 $0x108;
	_ =	swait.ge @!p0 [sflag:s8], $0x0  }
0x24: {  	s3 =	sadd.s32 $0x88, s3;
	s6 =	simm.s32 @!p1 $0x1082;
	[sflag:s4] =	ssyncset.s32 $0xFFFFF086  }
0x25: {  	[simem:s6], [sflag:s4] =	dma.local [hbm:s3], $0xF7A  }
0x26: {  	[smem:$0x3F9C] =	sst s1;
	(tag) =	ssettag s2;
	_ =	strace s9  }
0x27: {  	s1 =	sld [smem:$0x3FAC]  }
0x28: {  	s2 =	sld [smem:$0x3FAD]  }
0x29: {  	s4 =	sld [smem:$0x3FAF]  }
0x2a: {  	p0 =	seq.s32 s5, $0x0;
	s5 =	sld [smem:$0x3FB0]  }
0x2b: {  	s6 =	sld [smem:$0x3FB1]  }
0x2c: {  	s7 =	sld [smem:$0x3FB2]  }
0x2d: {  	s3 =	simm.s32 $0x108;
	s8 =	sld [smem:$0x3FB3]  }
0x2e: {  	s3 =	simm.s32 @!p0 $0x1082;
	s9 =	sld [smem:$0x3FB4]  }
0x2f: {  	lr =	sadd.s32 s0, s3;
	s0 =	sld [smem:$0x3FAB]  }
0x30: {  	s3 =	sld [smem:$0x3FAE]  }
0x31: {  	[smem:$0x3FB7] =	sst s10  }
0x32: {  	s10 =	sld [smem:$0x3FB5];
	_ =	sdelay $0x3  }
0x33: {  	p0 =	seq.s32 s10, $0x1;
	s10 =	sld [smem:$0x3FB7];
	_ =	sdelay $0x3  }
0x34: {  	[smem:$0x3FB7] =	sst s10  }
0x35: {  	s10 =	sld [smem:$0x3FB6];
	_ =	sdelay $0x3  }
0x36: {  	p1 =	seq.s32 s10, $0x1;
	s10 =	sld [smem:$0x3FB7];
	_ =	sdelay $0x3  }
0x37: {  	[smem:$0x3FB7] =	sst s10  }
0x38: {  	s10 =	sld [smem:$0x3FB8]  }
0x39: {  	_ = 	snop;
	(pc) =	sbr.ind lr, $3  }
0x3a: {  	_ = 	snop  }
0x3b: {  	_ = 	snop  }
0x3c: {  	p2 =	seq.s32 s10, $0x1;
	s10 =	sld [smem:$0x3FB7]  }
0x3d: {  	_ =	shalt  }
0x3e: {  	_ =	shalt  }
0x3f: {  	_ =	shalt  }
0x40: {  	_ =	shalt  }
0x41: {  	_ =	shalt  }
0x42: {  	_ =	shalt  }
0x43: {  	_ =	shalt  }
0x44: {  	_ =	shalt  }
0x45: {  	_ =	shalt  }
0x46: {  	_ =	shalt  }
0x47: {  	_ =	shalt  }
0x48: {  	_ =	shalt  }
0x49: {  	_ =	shalt  }
0x4a: {  	_ =	shalt  }
0x4b: {  	_ =	shalt  }
0x4c: {  	_ =	shalt  }
0x4d: {  	_ =	shalt  }
0x4e: {  	_ =	shalt  }
0x4f: {  	_ =	shalt  }
0x50: {  	_ =	shalt  }
0x51: {  	_ =	shalt  }
0x52: {  	_ =	shalt  }
0x53: {  	_ =	shalt  }
0x54: {  	_ =	shalt  }
0x55: {  	_ =	shalt  }
0x56: {  	_ =	shalt  }
0x57: {  	_ =	shalt  }
0x58: {  	_ =	shalt  }
0x59: {  	_ =	shalt  }
0x5a: {  	_ =	shalt  }
0x5b: {  	_ =	shalt  }
0x5c: {  	_ =	shalt  }
0x5d: {  	_ =	shalt  }
0x5e: {  	_ =	shalt  }
0x5f: {  	_ =	shalt  }
0x60: {  	_ =	shalt  }
0x61: {  	_ =	shalt  }
0x62: {  	_ =	shalt  }
0x63: {  	_ =	shalt  }
0x64: {  	_ =	shalt  }
0x65: {  	_ =	shalt  }
0x66: {  	_ =	shalt  }
0x67: {  	_ =	shalt  }
0x68: {  	_ =	shalt  }
0x69: {  	_ =	shalt  }
0x6a: {  	_ =	shalt  }
0x6b: {  	_ =	shalt  }
0x6c: {  	_ =	shalt  }
0x6d: {  	_ =	shalt  }
0x6e: {  	_ =	shalt  }
0x6f: {  	_ =	shalt  }
0x70: {  	_ =	shalt  }
0x71: {  	_ =	shalt  }
0x72: {  	_ =	shalt  }
0x73: {  	_ =	shalt  }
0x74: {  	_ =	shalt  }
0x75: {  	_ =	shalt  }
0x76: {  	_ =	shalt  }
0x77: {  	_ =	shalt  }
0x78: {  	_ =	shalt  }
0x79: {  	_ =	shalt  }
0x7a: {  	_ =	shalt  }
0x7b: {  	_ =	shalt  }
0x7c: {  	_ =	shalt  }
0x7d: {  	_ =	shalt  }
0x7e: {  	_ =	shalt  }
0x7f: {  	_ =	shalt  }
0x80: {  	_ =	shalt  }
0x81: {  	_ =	shalt  }
0x82: {  	_ =	shalt  }
0x83: {  	_ =	shalt  }
0x84: {  	_ =	shalt  }
0x85: {  	_ =	shalt  }
0x86: {  	_ =	shalt  }
0x87: {  	_ =	shalt  }
.Lfunc_end0:
.L_simem_size_0:
called_computation_lowered:
.L_overlay_start_0:
0x88: {  	s2 =	sld [smem:$0x3FD9]  }
0x89: {  	s3 =	sld [smem:$0x3FFE];
	_ =	sdelay $0x1  }
0x8a: {  	s1 =	srdreg.scid  }
0x8b: {  	s0 =	sand.u32 $0x1, s1  }
0x8c: {  	s17 =	sshll.u32 s0, $0xA;
	s2 =	sadd.s32 s3, s2  }
0x8d: {  	s2 =	sadd.s32 s2, s17  }
0x8e: {  	[smem:$0x3FC3] =	sst s2  }
0x8f: {  	_ = 	snop  }
0x90: {  	s2 =	sld [smem:$0x3FD0];
	(tm) =	ssettm $0x1  }
0x91: {  	s18 =	sld [smem:$0x3FFB];
	_ =	sdelay $0x3  }
0x92: {  	_ =	strace s18  }
0x93: {  	s3 =	sld [smem:$0x3FFC];
	_ =	sdelay $0x3  }
0x94: {  	_ =	strace s3  }
0x95: {  	s3 =	sld [smem:$0x3FFD];
	_ =	sdelay $0x3  }
0x96: {  	_ =	strace s3  }
0x97: {  	_ =	strace $0x8FFFFFFF  }
0x98: {  	s19 =	sld [smem:$0x3FDB];
	_ =	sdelay $0x1  }
0x99: {  	s4 =	simm.s32 $_scs_section_size  }
0x9a: {  	s5 =	simm.s32 $_size__tile_overlayer_lowered;
	s6 =	simm.s32 $_tile_overlayer_lowered  }
0x9b: {  	s22 =	simm.s32 $0x1BFF;
	s21 =	sshll.u32 s6, $0x1;
	s3 =	sadd.s32 s4, s19  }
0x9c: {  	s7 =	simm.s32 $0x0;
	s20 =	sshll.u32 s5, $0x1;
	s5 =	sadd.s32 s21, s3  }
0x9d: {  	[timem:s7], [sflag:s22] =	dma.local [hbm:s5], s20  }
0x9e: {  	_ =	swait.ge [sflag:s22], s20  }
0x9f: {  	s4 =	ssub.s32 $0x0, s20;
	[sflag:s22] =	ssyncset.done $0x0  }
0xa0: {  	[sflag:s22] =	ssyncadd.s32 s4;
	_ =	sdelay $0x1  }
0xa1: {  	s23 =	simm.s32 $0x1B8B  }
0xa2: {  	_ =	swait.ge [sflag:s23], $0x1  }
0xa3: {  	[sflag:s23] =	ssyncset.done $0x0  }
0xa4: {  	s25 =	simm.s32 $0x1B8E;
	s24 =	sld [smem:$0x3FFE];
	[sflag:s23] =	ssyncadd.s32 $0xFFFFFFFF  }
0xa5: {  	s26 =	simm.s32 $execute0_lowered;
	[smem:$0x3FD2] =	sst s25  }
0xa6: {  	s5 =	sshll.u32 s26, $0x1;
	_ =	strace $0x80000046;
	[dreg:$0x1] =	wrdreg $0xFFFFFFFF  }
0xa7: {  	s28 =	simm.s32 $_size_execute0_lowered;
	s3 =	sadd.s32 s3, s5;
	[dreg:$0x0] =	wrdreg $0x0  }
0xa8: {  	s5 =	sshll.u32 s28, $0x1;
	[dreg:$0x2] =	wrdreg s3  }
0xa9: {  	[dreg:$0x3] =	wrdreg s5  }
0xaa: {  	[dreg:$0x4] =	wrdreg $0xC0  }
0xab: {  	_ =	task [dreg:s7], $0x5FFFF  }
0xac: {  	[dreg:$0x1] =	wrdreg $0xFFFFFFFF  }
0xad: {  	[dreg:$0x0] =	wrdreg $0x60  }
0xae: {  	[dreg:$0x2] =	wrdreg s24  }
0xaf: {  	[dreg:$0x3] =	wrdreg s2  }
0xb0: {  	[dreg:$0x4] =	wrdreg $0x9  }
0xb1: {  	_ =	task.clear_ibuf [dreg:s7], $0x5FFFF;
	_ =	strace $0x90000046  }
0xb2: {  	s29 =	simm.s32 $0x9;
	_ =	strace $0x80000048  }
0xb3: {  	_ =	swait.ge [sflag:s29], $0x1  }
0xb4: {  	[sflag:s29] =	ssyncadd.s32 $0xFFFFFFFF  }
0xb5: {  	_ =	strace $0x90000048  }
0xb6: {  	_ =	sfence  }
0xb7: {  	s30 =	sld [smem:$0x0];
	_ =	sdelay $0x2  }
0xb8: {  	s31 =	sshll.u32 s1, $0xD;
	s1 =	sshrl.u32 s1, $0x2  }
0xb9: {  	s3 =	sand.u32 $0x4000, s31;
	s1 =	sadd.s32 s1, s30  }
0xba: {  	s0 =	sor.u32 s3, s0;
	s1 =	sshll.u32 s1, $0x11  }
0xbb: {  	s0 =	sor.u32 s1, s0  }
0xbc: {  	s0 =	sadd.s32 $0x8F2B, s0  }
0xbd: {  	[sflag:s0] =	ssyncadd.remote.s32 $0x1  }
0xbe: {  	_ =	sfence.sel $0xFFFF  }
0xbf: {  	[dreg:$0x0] =	wrdreg $0xFFFFFFFF;
	(pc) =	sbr.abs _section_cstart, $3  }
0xc0: {  	[dreg:$0x1] =	wrdreg $0xFFFFFFFF  }
0xc1: {  	_ =	task.clear_ibuf [dreg:s7], $0x2FFFF;
	_ =	strace $0x9FFFFFFF  }
0xc2: {  	(tm) =	ssettm $0x7FFFFFFF  }
0xc3: {  	_ =	shalt  }
tec
execute0_lowered:
.L_overlay_start_1:
0x0: {  	(tag) =	ssettag $0x1  }
0x1: {  	s0 =	rddreg [dreg:$0x0]  }
0x2: {  	s1 =	rddreg [dreg:$0x1];
	s2 =	simm.s32 $0x0;
	s3 =	srdreg.scid  }
0x3: {  	s4 =	stileid.u32;
	s11 =	simm.s32 $0x2;
	s12 =	simm.s32 $0x200  }
0x4: {  	s13 =	simm.s32 $0x80;
	s14 =	simm.s32 $0x400;
	s15 =	simm.s32 $0x2400  }
0x5: {  	s17 =	simm.s32 $0x280;
	s21 =	simm.s32 $0x100;
	s23 =	simm.s32 $0x300  }
0x6: {  	s28 =	simm.s32 $0x180;
	s29 =	simm.s32 $0x1C00;
	s30 =	simm.s32 $0x380  }
0x7: {  	s31 =	simm.s32 $0x3C00;
	s16 =	simm.s32 $0x1;
	s18 =	simm.s32 $0x4800  }
0x8: {  	s19 =	simm.s32 $0x0;
	[smem:$0x7FF] =	sst s2;
	s5 =	sand.u32 $0x1, s3  }
0x9: {  	s3 =	sadd.s32 $0x112BA00, s0;
	s6 =	sshll.u32 s4, $0x7;
	s4 =	sadd.s32 $0x1FA00, s0  }
0xa: {  	_ =	strace $0x80000047;
	s7 =	sshll.u32 s5, $0x6;
	s8 =	ssub.s32 $0x2, s5  }
0xb: {  	s5 =	sadd.s32 $0xF43400, s0;
	s9 =	sor.u32 s7, s6;
	s10 =	sshrl.u32 s8, $0x1  }
0xc: {  	s7 =	sadd.s32 $0x1000, s0;
	s6 =	sadd.s32 s0, s9;
	s26 =	ssub.s32 s8, s10  }
0xd: {  	v0 =	vlaneseq.u32;
	s9 =	sadd.s32 s1, s9;
	s0 =	simm.s32 $0x4580;
	s1 =	simm.s32 $0x4780  }
0xe: {  	v0 =	vmul.u32 $0x10, v0;
	s8 =	sadd.s32 $0x800, s6;
	s10 =	smax.u32 s26, $0x1;
	s26 =	simm.s32 $0x4700  }
.LBB2_1:
0xf: {  	[tilespmem:s2], [sflag:$0x2] =	stream.linear.gather [hbm4b:s8+s2], $0x200, $0x38;
	[tilespmem:$0x4A00] =	vst v63  }
0x10: {  	_ =	swait.ge [sflag:s11], $0x200  }
0x11: {  	[sflag:s11] =	ssyncset.done $0x0  }
0x12: {  	[sflag:s11] =	ssyncadd.s32 $0xFFFFFE00  }
0x13: {  	[tilespmem:s12], [sflag:$0x2] =	stream.linear.gather [hbm4b:s6+s2], $0x200, $0x38;
	[tilespmem:$0x4A00] =	vst v63  }
0x14: {  	_ =	swait.ge [sflag:s11], $0x200  }
0x15: {  	[sflag:s11] =	ssyncset.done $0x0  }
0x16: {  	[sflag:s11] =	ssyncadd.s32 $0xFFFFFE00  }
0x17: {  	[tilespmem:s14], [sflag:$0x1] =	stream.indirect.gather [hbm4b:s3+s13], $0x10, s2, s13, $0xb8;
	[tilespmem:$0x4A00] =	vst v63  }
0x18: {  	_ = 	snop  }
0x19: {  	[tilespmem:s15], [sflag:$0x1] =	stream.indirect.gather [hbm4b:s5+s13], $0x10, s12, s13, $0xb8;
	[tilespmem:$0x4A00] =	vst v63  }
0x1a: {  	s20 =	simm.s32 $0x4400  }
0x1b: {  	[tilespmem:s20], [sflag:$0x1] =	stream.indirect.gather [hbm4b:s4+s13], $0x1, s2, s13, $0xb8;
	[tilespmem:$0x4A00] =	vst v63  }
0x1c: {  	s22 =	simm.s32 $0x4600  }
0x1d: {  	[tilespmem:s22], [sflag:$0x1] =	stream.indirect.gather [hbm4b:s7+s13], $0x1, s12, s13, $0xb8;
	[tilespmem:$0x4A00] =	vst v63  }
0x1e: {  	s24 =	simm.s32 $0xC00  }
0x1f: {  	[tilespmem:s24], [sflag:$0x1] =	stream.indirect.gather [hbm4b:s3+s13], $0x10, s13, s13, $0xb8;
	[tilespmem:$0x4A00] =	vst v63  }
0x20: {  	s25 =	simm.s32 $0x2C00  }
0x21: {  	[tilespmem:s25], [sflag:$0x1] =	stream.indirect.gather [hbm4b:s5+s13], $0x10, s17, s13, $0xb8;
	[tilespmem:$0x4A00] =	vst v63  }
0x22: {  	s25 =	simm.s32 $0x4480  }
0x23: {  	[tilespmem:s25], [sflag:$0x1] =	stream.indirect.gather [hbm4b:s4+s13], $0x1, s13, s13, $0xb8;
	[tilespmem:$0x4A00] =	vst v63  }
0x24: {  	s25 =	simm.s32 $0x4680  }
0x25: {  	[tilespmem:s25], [sflag:$0x1] =	stream.indirect.gather [hbm4b:s7+s13], $0x1, s17, s13, $0xb8;
	[tilespmem:$0x4A00] =	vst v63  }
0x26: {  	s25 =	simm.s32 $0x1400  }
0x27: {  	[tilespmem:s25], [sflag:$0x1] =	stream.indirect.gather [hbm4b:s3+s13], $0x10, s21, s13, $0xb8;
	[tilespmem:$0x4A00] =	vst v63  }
0x28: {  	s25 =	simm.s32 $0x3400  }
0x29: {  	[tilespmem:s25], [sflag:$0x1] =	stream.indirect.gather [hbm4b:s5+s13], $0x10, s23, s13, $0xb8;
	[tilespmem:$0x4A00] =	vst v63  }
0x2a: {  	s25 =	simm.s32 $0x4500  }
0x2b: {  	[tilespmem:s25], [sflag:$0x1] =	stream.indirect.gather [hbm4b:s4+s13], $0x1, s21, s13, $0xb8;
	[tilespmem:$0x4A00] =	vst v63  }
0x2c: {  	_ = 	snop  }
0x2d: {  	[tilespmem:s26], [sflag:$0x1] =	stream.indirect.gather [hbm4b:s7+s13], $0x1, s23, s13, $0xb8;
	[tilespmem:$0x4A00] =	vst v63  }
0x2e: {  	_ = 	snop  }
0x2f: {  	[tilespmem:s29], [sflag:$0x1] =	stream.indirect.gather [hbm4b:s3+s13], $0x10, s28, s13, $0xb8;
	[tilespmem:$0x4A00] =	vst v63  }
0x30: {  	_ = 	snop  }
0x31: {  	[tilespmem:s31], [sflag:$0x1] =	stream.indirect.gather [hbm4b:s5+s13], $0x10, s30, s13, $0xb8;
	[tilespmem:$0x4A00] =	vst v63  }
0x32: {  	_ = 	snop  }
0x33: {  	[tilespmem:s0], [sflag:$0x1] =	stream.indirect.gather [hbm4b:s4+s13], $0x1, s28, s13, $0xb8;
	[tilespmem:$0x4A00] =	vst v63  }
0x34: {  	_ = 	snop  }
0x35: {  	[tilespmem:s1], [sflag:$0x1] =	stream.indirect.gather [hbm4b:s7+s13], $0x1, s30, s13, $0xb8;
	[tilespmem:$0x4A00] =	vst v63  }
0x36: {  	_ =	swait.ge [sflag:s16], $0x800  }
0x37: {  	[sflag:s16] =	ssyncset.done $0x0  }
0x38: {  	[sflag:s16] =	ssyncadd.s32 $0xFFFFF800  }
0x39: {  	_ =	swait.ge [sflag:s16], $0x800  }
0x3a: {  	[sflag:s16] =	ssyncset.done $0x0  }
0x3b: {  	[sflag:s16] =	ssyncadd.s32 $0xFFFFF800  }
0x3c: {  	_ =	swait.ge [sflag:s16], $0x80  }
0x3d: {  	[sflag:s16] =	ssyncset.done $0x0  }
0x3e: {  	[sflag:s16] =	ssyncadd.s32 $0xFFFFFF80  }
0x3f: {  	_ =	swait.ge [sflag:s16], $0x80  }
0x40: {  	[sflag:s16] =	ssyncset.done $0x0  }
0x41: {  	[sflag:s16] =	ssyncadd.s32 $0xFFFFFF80  }
0x42: {  	_ =	swait.ge [sflag:s16], $0x800  }
0x43: {  	[sflag:s16] =	ssyncset.done $0x0  }
0x44: {  	[sflag:s16] =	ssyncadd.s32 $0xFFFFF800  }
0x45: {  	_ =	swait.ge [sflag:s16], $0x800  }
0x46: {  	[sflag:s16] =	ssyncset.done $0x0  }
0x47: {  	[sflag:s16] =	ssyncadd.s32 $0xFFFFF800  }
0x48: {  	_ =	swait.ge [sflag:s16], $0x80  }
0x49: {  	[sflag:s16] =	ssyncset.done $0x0  }
0x4a: {  	[sflag:s16] =	ssyncadd.s32 $0xFFFFFF80  }
0x4b: {  	_ =	swait.ge [sflag:s16], $0x80  }
0x4c: {  	[sflag:s16] =	ssyncset.done $0x0  }
0x4d: {  	[sflag:s16] =	ssyncadd.s32 $0xFFFFFF80  }
0x4e: {  	_ =	swait.ge [sflag:s16], $0x800  }
0x4f: {  	[sflag:s16] =	ssyncset.done $0x0  }
0x50: {  	[sflag:s16] =	ssyncadd.s32 $0xFFFFF800  }
0x51: {  	_ =	swait.ge [sflag:s16], $0x800  }
0x52: {  	[sflag:s16] =	ssyncset.done $0x0  }
0x53: {  	[sflag:s16] =	ssyncadd.s32 $0xFFFFF800  }
0x54: {  	_ =	swait.ge [sflag:s16], $0x80  }
0x55: {  	[sflag:s16] =	ssyncset.done $0x0  }
0x56: {  	[sflag:s16] =	ssyncadd.s32 $0xFFFFFF80  }
0x57: {  	_ =	swait.ge [sflag:s16], $0x80  }
0x58: {  	[sflag:s16] =	ssyncset.done $0x0  }
0x59: {  	[sflag:s16] =	ssyncadd.s32 $0xFFFFFF80  }
0x5a: {  	_ =	swait.ge [sflag:s16], $0x800  }
0x5b: {  	[sflag:s16] =	ssyncset.done $0x0  }
0x5c: {  	[sflag:s16] =	ssyncadd.s32 $0xFFFFF800  }
0x5d: {  	_ =	swait.ge [sflag:s16], $0x800  }
0x5e: {  	[sflag:s16] =	ssyncset.done $0x0  }
0x5f: {  	[sflag:s16] =	ssyncadd.s32 $0xFFFFF800  }
0x60: {  	v1 =	vmov s2;
	_ =	swait.ge [sflag:s16], $0x80  }
0x61: {  	v1 =	vshll.u32 v1, $0x4;
	[sflag:s16] =	ssyncset.done $0x0  }
0x62: {  	v1 =	vor.u32 v0, v1;
	[sflag:s16] =	ssyncadd.s32 $0xFFFFFF80  }
0x63: {  	_ =	swait.ge [sflag:s16], $0x80  }
0x64: {  	[sflag:s16] =	ssyncset.done $0x0  }
0x65: {  	v2 =	vor.u32 $0x1, v1;
	[sflag:s16] =	ssyncadd.s32 $0xFFFFFF80  }
0x66: {  	v3 =	vld [tilespmem:s22+$0x0]  }
0x67: {  	v4 =	vor.u32 $0x2, v1;
	v5 =	vld.idx.msk [tilespmem:v1+s14+$0x0], $0xffff  }
0x68: {  	v6 =	vld.idx.msk [tilespmem:v1+s15+$0x0], $0xffff  }
0x69: {  	v7 =	vor.u32 $0x3, v1;
	v8 =	vld [tilespmem:s20+$0x0]  }
0x6a: {  	v9 =	vld.idx.msk [tilespmem:v2+s14+$0x0], $0xffff  }
0x6b: {  	v10 =	vor.u32 $0x4, v1;
	v2 =	vld.idx.msk [tilespmem:v2+s15+$0x0], $0xffff  }
0x6c: {  	v11 =	vld.idx.msk [tilespmem:v4+s14+$0x0], $0xffff  }
0x6d: {  	v12 =	vor.u32 $0x5, v1;
	v4 =	vld.idx.msk [tilespmem:v4+s15+$0x0], $0xffff  }
0x6e: {  	v13 =	vld.idx.msk [tilespmem:v7+s14+$0x0], $0xffff;
	v3 =	vadd.f32 v3, v8;
	v5 =	vmul.f32 v6, v5  }
0x6f: {  	v39 =	vor.u32 $0x6, v1;
	v38 =	vld.idx.msk [tilespmem:v7+s15+$0x0], $0xffff  }
0x70: {  	v40 =	vld.idx.msk [tilespmem:v10+s14+$0x0], $0xffff;
	v2 =	vmul.f32 v2, v9;
	v3 =	vadd.f32 v5, v3  }
0x71: {  	v42 =	vor.u32 $0x7, v1;
	v41 =	vld.idx.msk [tilespmem:v10+s15+$0x0], $0xffff  }
0x72: {  	v43 =	vld.idx.msk [tilespmem:v12+s14+$0x0], $0xffff;
	v2 =	vadd.f32 v2, v3;
	v3 =	vmul.f32 v4, v11  }
0x73: {  	v45 =	vor.u32 $0x8, v1;
	v44 =	vld.idx.msk [tilespmem:v12+s15+$0x0], $0xffff  }
0x74: {  	v46 =	vld.idx.msk [tilespmem:v39+s14+$0x0], $0xffff;
	v2 =	vadd.f32 v3, v2;
	v3 =	vmul.f32 v38, v13  }
0x75: {  	v48 =	vor.u32 $0x9, v1;
	v47 =	vld.idx.msk [tilespmem:v39+s15+$0x0], $0xffff  }
0x76: {  	v49 =	vld.idx.msk [tilespmem:v42+s14+$0x0], $0xffff;
	v2 =	vadd.f32 v3, v2;
	v3 =	vmul.f32 v41, v40  }
0x77: {  	v51 =	vor.u32 $0xA, v1;
	v50 =	vld.idx.msk [tilespmem:v42+s15+$0x0], $0xffff  }
0x78: {  	v52 =	vld.idx.msk [tilespmem:v45+s14+$0x0], $0xffff;
	v2 =	vadd.f32 v3, v2;
	v3 =	vmul.f32 v44, v43  }
0x79: {  	v54 =	vor.u32 $0xB, v1;
	v53 =	vld.idx.msk [tilespmem:v45+s15+$0x0], $0xffff  }
0x7a: {  	v55 =	vld.idx.msk [tilespmem:v48+s14+$0x0], $0xffff;
	v2 =	vadd.f32 v3, v2;
	v3 =	vmul.f32 v47, v46  }
0x7b: {  	v57 =	vor.u32 $0xC, v1;
	v56 =	vld.idx.msk [tilespmem:v48+s15+$0x0], $0xffff  }
0x7c: {  	v58 =	vld.idx.msk [tilespmem:v51+s14+$0x0], $0xffff;
	v2 =	vadd.f32 v3, v2;
	v3 =	vmul.f32 v50, v49  }
0x7d: {  	v60 =	vor.u32 $0xD, v1;
	v59 =	vld.idx.msk [tilespmem:v51+s15+$0x0], $0xffff  }
0x7e: {  	v61 =	vld.idx.msk [tilespmem:v54+s14+$0x0], $0xffff;
	v2 =	vadd.f32 v3, v2;
	v3 =	vmul.f32 v53, v52  }
0x7f: {  	v63 =	vor.u32 $0xE, v1;
	v62 =	vld.idx.msk [tilespmem:v54+s15+$0x0], $0xffff  }
0x80: {  	v14 =	vld.idx.msk [tilespmem:v57+s14+$0x0], $0xffff;
	v2 =	vadd.f32 v3, v2;
	v3 =	vmul.f32 v56, v55  }
0x81: {  	v15 =	vld.idx.msk [tilespmem:v57+s15+$0x0], $0xffff;
	v1 =	vor.u32 $0xF, v1  }
0x82: {  	v16 =	vld.idx.msk [tilespmem:v60+s14+$0x0], $0xffff;
	v2 =	vadd.f32 v3, v2;
	v3 =	vmul.f32 v59, v58  }
0x83: {  	v17 =	vld.idx.msk [tilespmem:v60+s15+$0x0], $0xffff  }
0x84: {  	v18 =	vld.idx.msk [tilespmem:v63+s14+$0x0], $0xffff;
	v2 =	vadd.f32 v3, v2;
	v3 =	vmul.f32 v62, v61  }
0x85: {  	v19 =	vld.idx.msk [tilespmem:v63+s15+$0x0], $0xffff  }
0x86: {  	v20 =	vld.idx.msk [tilespmem:v1+s14+$0x0], $0xffff;
	v2 =	vadd.f32 v3, v2;
	v3 =	vmul.f32 v15, v14  }
0x87: {  	v1 =	vld.idx.msk [tilespmem:v1+s15+$0x0], $0xffff  }
0x88: {  	v2 =	vadd.f32 v3, v2;
	v3 =	vmul.f32 v17, v16;
	_ =	sdelay $0x1  }
0x89: {  	v2 =	vadd.f32 v3, v2;
	v3 =	vmul.f32 v19, v18;
	_ =	sdelay $0x1  }
0x8a: {  	v1 =	vmul.f32 v1, v20;
	v2 =	vadd.f32 v3, v2;
	_ =	sdelay $0x1  }
0x8b: {  	v1 =	vadd.f32 v1, v2;
	_ =	sdelay $0x1  }
0x8c: {  	v1 =	vsub.f32 $0.0e+00, v1;
	_ =	sdelay $0x1  }
0x8d: {  	v1 =	vmul.f32 $1.442695020e+00, v1;
	_ =	sdelay $0x1  }
0x8e: {  	(erf) = vpow2.f32 v1;
	_ =	sdelay $0x8  }
0x8f: {  	v1 =	vpop (erf)  }
0x90: {  	v1 =	vadd.f32 $1.000000000e+00, v1;
	_ =	sdelay $0x1  }
0x91: {  	(erf) = vrcp.f32 v1;
	_ =	sdelay $0x3  }
0x92: {  	s24 =	simm.s32 $0x10  }
0x93: {  	v1 =	vmov s24  }
0x94: {  	v1 =	vshll.u32 v1, $0x4  }
0x95: {  	v1 =	vor.u32 v0, v1;
	_ =	sdelay $0x1  }
0x96: {  	v2 =	vpop (erf)  }
0x97: {  	s20 =	simm.s32 $0x4610;
	v3 =	vor.u32 $0x1, v1;
	[tilespmem:s18+$0x0] =	vst v2  }
0x98: {  	v2 =	vld [tilespmem:s20+$0x0]  }
0x99: {  	v21 =	vor.u32 $0x2, v1;
	v22 =	vld.idx.msk [tilespmem:v1+s14+$0x0], $0xffff  }
0x9a: {  	s22 =	simm.s32 $0x4410;
	v23 =	vld.idx.msk [tilespmem:v1+s15+$0x0], $0xffff  }
0x9b: {  	v24 =	vor.u32 $0x3, v1;
	v25 =	vld [tilespmem:s22+$0x0]  }
0x9c: {  	v26 =	vld.idx.msk [tilespmem:v3+s14+$0x0], $0xffff  }
0x9d: {  	v27 =	vor.u32 $0x4, v1;
	v3 =	vld.idx.msk [tilespmem:v3+s15+$0x0], $0xffff  }
0x9e: {  	v28 =	vld.idx.msk [tilespmem:v21+s14+$0x0], $0xffff  }
0x9f: {  	v29 =	vor.u32 $0x5, v1;
	v4 =	vld.idx.msk [tilespmem:v21+s15+$0x0], $0xffff  }
0xa0: {  	v30 =	vld.idx.msk [tilespmem:v24+s14+$0x0], $0xffff;
	v2 =	vadd.f32 v2, v25;
	v5 =	vmul.f32 v23, v22  }
0xa1: {  	v32 =	vor.u32 $0x6, v1;
	v31 =	vld.idx.msk [tilespmem:v24+s15+$0x0], $0xffff  }
0xa2: {  	v33 =	vld.idx.msk [tilespmem:v27+s14+$0x0], $0xffff;
	v3 =	vmul.f32 v3, v26;
	v2 =	vadd.f32 v5, v2  }
0xa3: {  	v35 =	vor.u32 $0x7, v1;
	v34 =	vld.idx.msk [tilespmem:v27+s15+$0x0], $0xffff  }
0xa4: {  	v36 =	vld.idx.msk [tilespmem:v29+s14+$0x0], $0xffff;
	v2 =	vadd.f32 v3, v2;
	v3 =	vmul.f32 v4, v28  }
0xa5: {  	v38 =	vor.u32 $0x8, v1;
	v37 =	vld.idx.msk [tilespmem:v29+s15+$0x0], $0xffff  }
0xa6: {  	v39 =	vld.idx.msk [tilespmem:v32+s14+$0x0], $0xffff;
	v2 =	vadd.f32 v3, v2;
	v3 =	vmul.f32 v31, v30  }
0xa7: {  	v41 =	vor.u32 $0x9, v1;
	v40 =	vld.idx.msk [tilespmem:v32+s15+$0x0], $0xffff  }
0xa8: {  	v42 =	vld.idx.msk [tilespmem:v35+s14+$0x0], $0xffff;
	v2 =	vadd.f32 v3, v2;
	v3 =	vmul.f32 v34, v33  }
0xa9: {  	v44 =	vor.u32 $0xA, v1;
	v43 =	vld.idx.msk [tilespmem:v35+s15+$0x0], $0xffff  }
0xaa: {  	v45 =	vld.idx.msk [tilespmem:v38+s14+$0x0], $0xffff;
	v2 =	vadd.f32 v3, v2;
	v3 =	vmul.f32 v37, v36  }
0xab: {  	v47 =	vor.u32 $0xB, v1;
	v46 =	vld.idx.msk [tilespmem:v38+s15+$0x0], $0xffff  }
0xac: {  	v48 =	vld.idx.msk [tilespmem:v41+s14+$0x0], $0xffff;
	v2 =	vadd.f32 v3, v2;
	v3 =	vmul.f32 v40, v39  }
0xad: {  	v50 =	vor.u32 $0xC, v1;
	v49 =	vld.idx.msk [tilespmem:v41+s15+$0x0], $0xffff  }
0xae: {  	v51 =	vld.idx.msk [tilespmem:v44+s14+$0x0], $0xffff;
	v2 =	vadd.f32 v3, v2;
	v3 =	vmul.f32 v43, v42  }
0xaf: {  	v53 =	vor.u32 $0xD, v1;
	v52 =	vld.idx.msk [tilespmem:v44+s15+$0x0], $0xffff  }
0xb0: {  	v54 =	vld.idx.msk [tilespmem:v47+s14+$0x0], $0xffff;
	v2 =	vadd.f32 v3, v2;
	v3 =	vmul.f32 v46, v45  }
0xb1: {  	v56 =	vor.u32 $0xE, v1;
	v55 =	vld.idx.msk [tilespmem:v47+s15+$0x0], $0xffff  }
0xb2: {  	v57 =	vld.idx.msk [tilespmem:v50+s14+$0x0], $0xffff;
	v2 =	vadd.f32 v3, v2;
	v3 =	vmul.f32 v49, v48  }
0xb3: {  	v58 =	vld.idx.msk [tilespmem:v50+s15+$0x0], $0xffff;
	v1 =	vor.u32 $0xF, v1  }
0xb4: {  	v59 =	vld.idx.msk [tilespmem:v53+s14+$0x0], $0xffff;
	v2 =	vadd.f32 v3, v2;
	v3 =	vmul.f32 v52, v51  }
0xb5: {  	v60 =	vld.idx.msk [tilespmem:v53+s15+$0x0], $0xffff  }
0xb6: {  	v61 =	vld.idx.msk [tilespmem:v56+s14+$0x0], $0xffff;
	v2 =	vadd.f32 v3, v2;
	v3 =	vmul.f32 v55, v54  }
0xb7: {  	v62 =	vld.idx.msk [tilespmem:v56+s15+$0x0], $0xffff  }
0xb8: {  	v63 =	vld.idx.msk [tilespmem:v1+s14+$0x0], $0xffff;
	v2 =	vadd.f32 v3, v2;
	v3 =	vmul.f32 v58, v57  }
0xb9: {  	v1 =	vld.idx.msk [tilespmem:v1+s15+$0x0], $0xffff  }
0xba: {  	v2 =	vadd.f32 v3, v2;
	v3 =	vmul.f32 v60, v59;
	_ =	sdelay $0x1  }
0xbb: {  	v2 =	vadd.f32 v3, v2;
	v3 =	vmul.f32 v62, v61;
	_ =	sdelay $0x1  }
0xbc: {  	v1 =	vmul.f32 v1, v63;
	v2 =	vadd.f32 v3, v2;
	_ =	sdelay $0x1  }
0xbd: {  	v1 =	vadd.f32 v1, v2;
	_ =	sdelay $0x1  }
0xbe: {  	v1 =	vsub.f32 $0.0e+00, v1;
	_ =	sdelay $0x1  }
0xbf: {  	v1 =	vmul.f32 $1.442695020e+00, v1;
	_ =	sdelay $0x1  }
0xc0: {  	(erf) = vpow2.f32 v1;
	_ =	sdelay $0x8  }
0xc1: {  	v1 =	vpop (erf)  }
0xc2: {  	v3 =	vadd.f32 $1.000000000e+00, v1;
	_ =	sdelay $0x1  }
0xc3: {  	(erf) = vrcp.f32 v3;
	_ =	sdelay $0x1  }
0xc4: {  	s25 =	simm.s32 $0x20  }
0xc5: {  	v2 =	vmov s25  }
0xc6: {  	v1 =	vshll.u32 v2, $0x4  }
0xc7: {  	v1 =	vor.u32 v0, v1  }
0xc8: {  	v2 =	vor.u32 $0x1, v1  }
0xc9: {  	s24 =	simm.s32 $0x4800;
	s25 =	simm.s32 $0x30  }
.LBB2_2:
0xca: {  	p0 =	sne.s32 s25, $0x1F0  }
0xcb: {  	s24 =	sadd.s32 $0x10, s24;
	v3 =	vpop (erf)  }
0xcc: {  	[tilespmem:s24+$0x0] =	vst v3  }
0xcd: {  	s20 =	sadd.s32 $0x10, s20;
	v3 =	vld.idx.msk [tilespmem:v2+s14+$0x0], $0xffff  }
0xce: {  	v5 =	vor.u32 $0x2, v1;
	v4 =	vld [tilespmem:s20+$0x0]  }
0xcf: {  	v6 =	vld.idx.msk [tilespmem:v1+s14+$0x0], $0xffff  }
0xd0: {  	v8 =	vor.u32 $0x3, v1;
	s22 =	sadd.s32 $0x10, s22;
	v7 =	vld.idx.msk [tilespmem:v1+s15+$0x0], $0xffff  }
0xd1: {  	v9 =	vld [tilespmem:s22+$0x0]  }
0xd2: {  	v10 =	vor.u32 $0x4, v1;
	v2 =	vld.idx.msk [tilespmem:v2+s15+$0x0], $0xffff  }
0xd3: {  	v11 =	vld.idx.msk [tilespmem:v5+s14+$0x0], $0xffff  }
0xd4: {  	v12 =	vor.u32 $0x5, v1;
	v5 =	vld.idx.msk [tilespmem:v5+s15+$0x0], $0xffff  }
0xd5: {  	v13 =	vld.idx.msk [tilespmem:v8+s14+$0x0], $0xffff  }
0xd6: {  	v6 =	vmul.f32 v7, v6;
	v4 =	vadd.f32 v4, v9;
	v7 =	vld.idx.msk [tilespmem:v8+s15+$0x0], $0xffff;
	v8 =	vor.u32 $0x6, v1  }
0xd7: {  	v9 =	vld.idx.msk [tilespmem:v10+s14+$0x0], $0xffff  }
0xd8: {  	v2 =	vmul.f32 v2, v3;
	v4 =	vadd.f32 v6, v4;
	v3 =	vld.idx.msk [tilespmem:v10+s15+$0x0], $0xffff;
	v6 =	vor.u32 $0x7, v1  }
0xd9: {  	v10 =	vld.idx.msk [tilespmem:v12+s14+$0x0], $0xffff  }
0xda: {  	v2 =	vadd.f32 v2, v4;
	v4 =	vmul.f32 v5, v11;
	v5 =	vld.idx.msk [tilespmem:v12+s15+$0x0], $0xffff;
	v11 =	vor.u32 $0x8, v1  }
0xdb: {  	v12 =	vld.idx.msk [tilespmem:v8+s14+$0x0], $0xffff  }
0xdc: {  	v2 =	vadd.f32 v4, v2;
	v4 =	vmul.f32 v7, v13;
	v7 =	vld.idx.msk [tilespmem:v8+s15+$0x0], $0xffff;
	v8 =	vor.u32 $0x9, v1  }
0xdd: {  	v13 =	vld.idx.msk [tilespmem:v6+s14+$0x0], $0xffff  }
0xde: {  	v3 =	vmul.f32 v3, v9;
	v2 =	vadd.f32 v4, v2;
	v4 =	vld.idx.msk [tilespmem:v6+s15+$0x0], $0xffff;
	v6 =	vor.u32 $0xA, v1  }
0xdf: {  	v9 =	vld.idx.msk [tilespmem:v11+s14+$0x0], $0xffff  }
0xe0: {  	v2 =	vadd.f32 v3, v2;
	v3 =	vmul.f32 v5, v10;
	v5 =	vld.idx.msk [tilespmem:v11+s15+$0x0], $0xffff;
	v10 =	vor.u32 $0xB, v1  }
0xe1: {  	v11 =	vld.idx.msk [tilespmem:v8+s14+$0x0], $0xffff  }
0xe2: {  	v2 =	vadd.f32 v3, v2;
	v3 =	vmul.f32 v7, v12;
	v7 =	vld.idx.msk [tilespmem:v8+s15+$0x0], $0xffff;
	v8 =	vor.u32 $0xC, v1  }
0xe3: {  	v12 =	vld.idx.msk [tilespmem:v6+s14+$0x0], $0xffff  }
0xe4: {  	v2 =	vadd.f32 v3, v2;
	v3 =	vmul.f32 v4, v13;
	v4 =	vld.idx.msk [tilespmem:v6+s15+$0x0], $0xffff;
	v6 =	vor.u32 $0xD, v1  }
0xe5: {  	v13 =	vld.idx.msk [tilespmem:v10+s14+$0x0], $0xffff  }
0xe6: {  	v2 =	vadd.f32 v3, v2;
	v3 =	vmul.f32 v5, v9;
	v5 =	vld.idx.msk [tilespmem:v10+s15+$0x0], $0xffff;
	v9 =	vor.u32 $0xE, v1  }
0xe7: {  	v10 =	vld.idx.msk [tilespmem:v8+s14+$0x0], $0xffff  }
0xe8: {  	v1 =	vor.u32 $0xF, v1;
	v2 =	vadd.f32 v3, v2;
	v3 =	vmul.f32 v7, v11;
	v7 =	vld.idx.msk [tilespmem:v8+s15+$0x0], $0xffff  }
0xe9: {  	v8 =	vld.idx.msk [tilespmem:v6+s14+$0x0], $0xffff  }
0xea: {  	v2 =	vadd.f32 v3, v2;
	v3 =	vmul.f32 v4, v12;
	v4 =	vld.idx.msk [tilespmem:v6+s15+$0x0], $0xffff  }
0xeb: {  	v6 =	vld.idx.msk [tilespmem:v9+s14+$0x0], $0xffff  }
0xec: {  	v2 =	vadd.f32 v3, v2;
	v3 =	vmul.f32 v5, v13;
	v5 =	vld.idx.msk [tilespmem:v9+s15+$0x0], $0xffff  }
0xed: {  	v9 =	vld.idx.msk [tilespmem:v1+s14+$0x0], $0xffff  }
0xee: {  	v2 =	vadd.f32 v3, v2;
	v3 =	vmul.f32 v7, v10;
	v1 =	vld.idx.msk [tilespmem:v1+s15+$0x0], $0xffff;
	_ =	sdelay $0x1  }
0xef: {  	v2 =	vadd.f32 v3, v2;
	v3 =	vmul.f32 v4, v8;
	_ =	sdelay $0x1  }
0xf0: {  	v2 =	vadd.f32 v3, v2;
	v3 =	vmul.f32 v5, v6;
	_ =	sdelay $0x1  }
0xf1: {  	v1 =	vmul.f32 v1, v9;
	v2 =	vadd.f32 v3, v2;
	_ =	sdelay $0x1  }
0xf2: {  	v1 =	vadd.f32 v1, v2;
	_ =	sdelay $0x1  }
0xf3: {  	v1 =	vsub.f32 $0.0e+00, v1;
	_ =	sdelay $0x1  }
0xf4: {  	v1 =	vmul.f32 $1.442695020e+00, v1;
	_ =	sdelay $0x1  }
0xf5: {  	(erf) = vpow2.f32 v1;
	_ =	sdelay $0x8  }
0xf6: {  	v1 =	vpop (erf)  }
0xf7: {  	v1 =	vadd.f32 $1.000000000e+00, v1;
	_ =	sdelay $0x1  }
0xf8: {  	(erf) = vrcp.f32 v1;
	_ =	sdelay $0x2  }
.Ltmp0:
0xf9: {  	v1 =	vmov s25;
	(pc) =	sbr.rel @p0 .LBB2_2-.Ltmp0, $4  }
0xfa: {  	v1 =	vshll.u32 v1, $0x4  }
0xfb: {  	v1 =	vor.u32 v0, v1  }
0xfc: {  	v2 =	vor.u32 $0x1, v1  }
0xfd: {  	s25 =	sadd.s32 $0x10, s25  }
0xfe: {  	_ = 	snop  }
0xff: {  	s24 =	sadd.s32 $0x10, s24;
	v3 =	vpop (erf)  }
0x100: {  	s20 =	sadd.s32 $0x10, s20;
	[tilespmem:s24+$0x0] =	vst v3  }
0x101: {  	v3 =	vld [tilespmem:s20+$0x0]  }
0x102: {  	v4 =	vor.u32 $0x2, v1;
	v5 =	vld.idx.msk [tilespmem:v1+s14+$0x0], $0xffff  }
0x103: {  	s22 =	sadd.s32 $0x10, s22;
	v6 =	vld.idx.msk [tilespmem:v1+s15+$0x0], $0xffff  }
0x104: {  	v7 =	vor.u32 $0x3, v1;
	v8 =	vld [tilespmem:s22+$0x0]  }
0x105: {  	v9 =	vld.idx.msk [tilespmem:v2+s14+$0x0], $0xffff  }
0x106: {  	v10 =	vor.u32 $0x4, v1;
	v2 =	vld.idx.msk [tilespmem:v2+s15+$0x0], $0xffff  }
0x107: {  	v11 =	vld.idx.msk [tilespmem:v4+s14+$0x0], $0xffff  }
0x108: {  	v12 =	vor.u32 $0x5, v1;
	v4 =	vld.idx.msk [tilespmem:v4+s15+$0x0], $0xffff  }
0x109: {  	v13 =	vld.idx.msk [tilespmem:v7+s14+$0x0], $0xffff;
	v3 =	vadd.f32 v3, v8;
	v5 =	vmul.f32 v6, v5  }
0x10a: {  	v32 =	vor.u32 $0x6, v1;
	v31 =	vld.idx.msk [tilespmem:v7+s15+$0x0], $0xffff  }
0x10b: {  	v33 =	vld.idx.msk [tilespmem:v10+s14+$0x0], $0xffff;
	v2 =	vmul.f32 v2, v9;
	v3 =	vadd.f32 v5, v3  }
0x10c: {  	v35 =	vor.u32 $0x7, v1;
	v34 =	vld.idx.msk [tilespmem:v10+s15+$0x0], $0xffff  }
0x10d: {  	v36 =	vld.idx.msk [tilespmem:v12+s14+$0x0], $0xffff;
	v2 =	vadd.f32 v2, v3;
	v3 =	vmul.f32 v4, v11  }
0x10e: {  	v38 =	vor.u32 $0x8, v1;
	v37 =	vld.idx.msk [tilespmem:v12+s15+$0x0], $0xffff  }
0x10f: {  	v39 =	vld.idx.msk [tilespmem:v32+s14+$0x0], $0xffff;
	v2 =	vadd.f32 v3, v2;
	v3 =	vmul.f32 v31, v13  }
0x110: {  	v41 =	vor.u32 $0x9, v1;
	v40 =	vld.idx.msk [tilespmem:v32+s15+$0x0], $0xffff  }
0x111: {  	v42 =	vld.idx.msk [tilespmem:v35+s14+$0x0], $0xffff;
	v2 =	vadd.f32 v3, v2;
	v3 =	vmul.f32 v34, v33  }
0x112: {  	v44 =	vor.u32 $0xA, v1;
	v43 =	vld.idx.msk [tilespmem:v35+s15+$0x0], $0xffff  }
0x113: {  	v45 =	vld.idx.msk [tilespmem:v38+s14+$0x0], $0xffff;
	v2 =	vadd.f32 v3, v2;
	v3 =	vmul.f32 v37, v36  }
0x114: {  	v47 =	vor.u32 $0xB, v1;
	v46 =	vld.idx.msk [tilespmem:v38+s15+$0x0], $0xffff  }
0x115: {  	v48 =	vld.idx.msk [tilespmem:v41+s14+$0x0], $0xffff;
	v2 =	vadd.f32 v3, v2;
	v3 =	vmul.f32 v40, v39  }
0x116: {  	v50 =	vor.u32 $0xC, v1;
	v49 =	vld.idx.msk [tilespmem:v41+s15+$0x0], $0xffff  }
0x117: {  	v51 =	vld.idx.msk [tilespmem:v44+s14+$0x0], $0xffff;
	v2 =	vadd.f32 v3, v2;
	v3 =	vmul.f32 v43, v42  }
0x118: {  	v53 =	vor.u32 $0xD, v1;
	v52 =	vld.idx.msk [tilespmem:v44+s15+$0x0], $0xffff  }
0x119: {  	v54 =	vld.idx.msk [tilespmem:v47+s14+$0x0], $0xffff;
	v2 =	vadd.f32 v3, v2;
	v3 =	vmul.f32 v46, v45  }
0x11a: {  	v56 =	vor.u32 $0xE, v1;
	v55 =	vld.idx.msk [tilespmem:v47+s15+$0x0], $0xffff  }
0x11b: {  	v57 =	vld.idx.msk [tilespmem:v50+s14+$0x0], $0xffff;
	v2 =	vadd.f32 v3, v2;
	v3 =	vmul.f32 v49, v48  }
0x11c: {  	v1 =	vor.u32 $0xF, v1;
	v58 =	vld.idx.msk [tilespmem:v50+s15+$0x0], $0xffff  }
0x11d: {  	v59 =	vld.idx.msk [tilespmem:v53+s14+$0x0], $0xffff;
	v2 =	vadd.f32 v3, v2;
	v3 =	vmul.f32 v52, v51  }
0x11e: {  	v60 =	vld.idx.msk [tilespmem:v53+s15+$0x0], $0xffff  }
0x11f: {  	v61 =	vld.idx.msk [tilespmem:v56+s14+$0x0], $0xffff;
	v2 =	vadd.f32 v3, v2;
	v3 =	vmul.f32 v55, v54  }
0x120: {  	v62 =	vld.idx.msk [tilespmem:v56+s15+$0x0], $0xffff  }
0x121: {  	v63 =	vld.idx.msk [tilespmem:v1+s14+$0x0], $0xffff;
	v2 =	vadd.f32 v3, v2;
	v3 =	vmul.f32 v58, v57  }
0x122: {  	v1 =	vld.idx.msk [tilespmem:v1+s15+$0x0], $0xffff  }
0x123: {  	v2 =	vadd.f32 v3, v2;
	v3 =	vmul.f32 v60, v59;
	_ =	sdelay $0x1  }
0x124: {  	v2 =	vadd.f32 v3, v2;
	v3 =	vmul.f32 v62, v61;
	_ =	sdelay $0x1  }
0x125: {  	v1 =	vmul.f32 v1, v63;
	v2 =	vadd.f32 v3, v2;
	_ =	sdelay $0x1  }
0x126: {  	v1 =	vadd.f32 v1, v2;
	_ =	sdelay $0x1  }
0x127: {  	v1 =	vsub.f32 $0.0e+00, v1;
	_ =	sdelay $0x1  }
0x128: {  	v1 =	vmul.f32 $1.442695020e+00, v1;
	_ =	sdelay $0x1  }
0x129: {  	(erf) = vpow2.f32 v1;
	_ =	sdelay $0x8  }
0x12a: {  	v1 =	vpop (erf)  }
0x12b: {  	v1 =	vadd.f32 $1.000000000e+00, v1;
	_ =	sdelay $0x1  }
0x12c: {  	(erf) = vrcp.f32 v1;
	_ =	sdelay $0x7  }
0x12d: {  	s19 =	sadd.s32 $0x1, s19  }
0x12e: {  	s25 =	sadd.s32 $0x10, s24;
	p0 =	sne.s32 s19, s10;
	v1 =	vpop (erf)  }
.Ltmp1:
0x12f: {  	[tilespmem:s25+$0x0] =	vst v1;
	(pc) =	sbr.rel @p0 .LBB2_1-.Ltmp1, $4  }
0x130: {  	[hbm4b:s9+s2] =	stream.linear.scatter [tilespmem:s18], [sflag:$0x2], $0x200, $0x38;
	[tilespmem:$0x4A00] =	vst v63  }
0x131: {  	_ =	swait.ge [sflag:s11], $0x200  }
0x132: {  	[sflag:s11] =	ssyncset.done $0x0  }
0x133: {  	[sflag:s11] =	ssyncadd.s32 $0xFFFFFE00  }
0x134: {  	_ =	sfence.sel $0x180000  }
0x135: {  	[bflag:$0x0] =	sbarrier.arrive $0xFFFF  }
0x136: {  	_ =	strace $0x90000047  }
0x137: {  	s0 =	stileid.u32;
	[bflag:$0x2] =	sbarrier.arrive $0xFFFF  }
0x138: {  	p0 =	sne.s32 s0, $0x0;
	s0 =	rddreg [dreg:$0x2]  }
0x139: {  	s0 =	sadd.s32 @!p0 $0x100000, s0  }
0x13a: {  	[sflag:s0] =	ssyncadd.tile.s32 @!p0 $0x1;
	_ =	shalt  }
.Lfunc_end2:
_tile_overlayer_lowered:
.L_overlay_start_2:
0x13b: {  	(tag) =	ssettag $0x2  }
0x13c: {  	s0 =	rddreg [dreg:$0x0];
	s2 =	stileid.u32  }
0x13d: {  	s1 =	rddreg [dreg:$0x1];
	p0 =	sne.s32 s2, $0x0  }
0x13e: {  	s3 =	rddreg [dreg:$0x2];
	[bflag:$0x3] =	sbarrier.arrive $0xFFFF;
	s2 =	simm.s32 @!p0 $0x1C02  }
0x13f: {  	[timem:s3], [sflag:s2] =	dma.local @!p0 [hbm:s0], s1  }
0x140: {  	s0 =	simm.s32 @!p0 $0x2  }
0x141: {  	_ =	swait.ge @!p0 [sflag:s0], s1  }
0x142: {  	s1 =	ssub.s32 @!p0 $0x0, s1;
	[sflag:s0] =	ssyncset.done @!p0 $0x0  }
0x143: {  	[sflag:s0] =	ssyncadd.s32 @!p0 s1  }
0x144: {  	[bflag:$0x3] =	sbarrier.arrive $0xFFFF  }
0x145: {  	_ =	shalt  }

</sc_bundles>
